<compile_context>
chip_gen: v7x
topology: tpu7x:2x2x1
jax: 0.10.2.dev20260603
libtpu: 0.0.44.dev20260713+nightly
codegen_flags: <defaults>
</compile_context>

<pallas_src>
import functools

import jax
import jax.numpy as jnp
from jax import lax
from jax.experimental import pallas as pl
from jax.experimental.pallas import tpu as pltpu
from jax.experimental.pallas import tpu_sc as plsc

_B = 4096
_LSEQ = 20
_EMB = 512
_DIM = 4
_NC, _NS, _LANES = 2, 16, 16
_NW = _NC * _NS
_ROWS_PER_W = _B // _NW
_GROUPS = _ROWS_PER_W // _LANES
_TAB_ROWS = 24


def _splat_u(v):
    return jnp.full((_LANES,), v, jnp.uint32)


def _splat_i(v):
    return jnp.full((_LANES,), v, jnp.int32)


@functools.partial(
    pl.kernel,
    out_type=jax.ShapeDtypeStruct((_B * _DIM,), jnp.float32),
    mesh=plsc.VectorSubcoreMesh(
        core_axis_name="c", subcore_axis_name="s",
        num_cores=_NC, num_subcores=_NS),
    compiler_params=pltpu.CompilerParams(needs_layout_passes=False),
    scratch_types=[
        pltpu.VMEM((_ROWS_PER_W * _LSEQ,), jnp.int32),
        pltpu.VMEM((_ROWS_PER_W * _LSEQ,), jnp.int32),
        pltpu.VMEM((_TAB_ROWS * _DIM,), jnp.float32),
        pltpu.VMEM((_ROWS_PER_W * _DIM,), jnp.float32),
        pltpu.SemaphoreType.DMA,
        pltpu.SemaphoreType.DMA,
        pltpu.SemaphoreType.DMA,
    ],
)
def _edit_distance_kernel(in1_hbm, in2_hbm, table_hbm, out_hbm,
                          in1_v, in2_v, table_v, out_v,
                          sem1, sem2, sem3):
    wid = lax.axis_index("s") * _NC + lax.axis_index("c")
    tok_base = wid * _ROWS_PER_W * _LSEQ
    out_base = wid * _ROWS_PER_W * _DIM
    c1 = pltpu.async_copy(
        in1_hbm.at[pl.ds(tok_base, _ROWS_PER_W * _LSEQ)], in1_v, sem1)
    c2 = pltpu.async_copy(
        in2_hbm.at[pl.ds(tok_base, _ROWS_PER_W * _LSEQ)], in2_v, sem2)
    c3 = pltpu.async_copy(
        table_hbm.at[pl.ds(0, _TAB_ROWS * _DIM)], table_v, sem3)
    c1.wait()
    c2.wait()
    c3.wait()

    lane = lax.iota(jnp.int32, _LANES)

    one = _splat_u(1)

    @plsc.parallel_loop(0, _GROUPS)
    def group_body(g):
        row_idx = g * _LANES + lane
        tok_idx = row_idx * _LSEQ
        b = [plsc.load_gather(in2_v, [tok_idx + _splat_i(j)])
             for j in range(_LSEQ)]

        def dp_row(i, row):
            ai = plsc.load_gather(in1_v, [tok_idx + i - 1])
            row = list(row)
            prev_diag = row[0]
            row[0] = jnp.full((_LANES,), i, jnp.int32).astype(jnp.uint32)
            for j in range(1, _LSEQ + 1):
                tmp = row[j]
                t = jnp.minimum(jnp.minimum(row[j], prev_diag), row[j - 1])
                row[j] = jnp.where(ai == b[j - 1], prev_diag, t + one)
                prev_diag = tmp
            return tuple(row)

        row = lax.fori_loop(
            1, _LSEQ + 1, dp_row,
            tuple(_splat_u(j) for j in range(_LSEQ + 1)), unroll=2)
        dist = jnp.minimum(
            row[_LSEQ], _splat_u(_TAB_ROWS - 1)).astype(jnp.int32)
        emb_idx = dist * _DIM
        out_idx = row_idx * _DIM
        for e in range(_DIM):
            vals = plsc.load_gather(table_v, [emb_idx + _splat_i(e)])
            plsc.store_scatter(out_v, [out_idx + _splat_i(e)], vals)

    pltpu.sync_copy(out_v, out_hbm.at[pl.ds(out_base, _ROWS_PER_W * _DIM)])


def kernel(input1, input2, embedding_table):
    out_flat = _edit_distance_kernel(
        input1.reshape(-1), input2.reshape(-1), embedding_table.reshape(-1))
    return out_flat.reshape(_B, _DIM)

# --- scband reference (transcript-rebuilt; emitter-appended) ---
"""Pipeline reference for scband-edit-distance-38422777430635 (READ-ONLY COPY).

The authoritative reference and input builder live on the scoring server;
editing this copy changes nothing except your own understanding.
"""

import jax, jax.numpy as jnp
import numpy as np
from jax import lax

EMB_SIZE = 512
EMB_DIM = 4


def _levenshtein(a, b):
    # a, b: int32[L] token sequences; classic DP edit distance.
    L = a.shape[0]
    init_row = jnp.arange(L + 1, dtype=jnp.int32)

    def outer(prev_row, xs):
        ai, i = xs

        def inner(cur_left, ys):
            prev_j, prev_jm1, bj = ys
            cost = jnp.where(ai == bj, jnp.int32(0), jnp.int32(1))
            cur_j = jnp.minimum(jnp.minimum(prev_j + 1, cur_left + 1), prev_jm1 + cost)
            return cur_j, cur_j

        _, cur_rest = lax.scan(inner, i, (prev_row[1:], prev_row[:-1], b))
        cur_row = jnp.concatenate([i[None], cur_rest])
        return cur_row, None

    idxs = jnp.arange(1, L + 1, dtype=jnp.int32)
    final_row, _ = lax.scan(outer, init_row, (a, idxs))
    return final_row[-1]


def setup_inputs(seed: int = 0):
    key = jax.random.key(seed)
    k1, k2, k3 = jax.random.split(key, 3)
    B, Lseq = 4096, 20
    input1 = jax.random.randint(k1, (B, Lseq), 0, 64, dtype=jnp.int32)
    input2 = jax.random.randint(k2, (B, Lseq), 0, 64, dtype=jnp.int32)
    embedding_table = jax.random.normal(k3, (EMB_SIZE, EMB_DIM), dtype=jnp.float32)
    return {"input1": input1, "input2": input2, "embedding_table": embedding_table}


def reference(input1, input2, embedding_table):
    # custom edit_distance op -> per-row Levenshtein DP over token ids
    dist = jax.vmap(_levenshtein)(input1, input2)
    ids = jnp.clip(dist, 0, EMB_SIZE - 1)
    # tf.nn.embedding_lookup
    embed = jnp.take(embedding_table, ids, axis=0)
    return embed

if __name__ == "__main__":
    import jax
    _d = setup_inputs()
    print(jax.jit(kernel)(*tuple(_d.values())))

</pallas_src>

<mosaic_0001>
#map = affine_map<(d0, d1) -> (0)>
module attributes {stable_mosaic.version = 14 : i64} {
  func.func @_edit_distance_kernel(%arg0: i32, %arg1: i32, %arg2: memref<81920xi32, #tpu.memory_space<hbm>>, %arg3: memref<81920xi32, #tpu.memory_space<hbm>>, %arg4: memref<2048xf32, #tpu.memory_space<hbm>>, %arg5: memref<16384xf32, #tpu.memory_space<hbm>>, %arg6: memref<2560xi32, #tpu.memory_space<vmem>>, %arg7: memref<2560xi32, #tpu.memory_space<vmem>>, %arg8: memref<96xf32, #tpu.memory_space<vmem>>, %arg9: memref<512xf32, #tpu.memory_space<vmem>>, %arg10: memref<!tpu.dma_semaphore, #tpu.memory_space<semaphore_mem>>, %arg11: memref<!tpu.dma_semaphore, #tpu.memory_space<semaphore_mem>>, %arg12: memref<!tpu.dma_semaphore, #tpu.memory_space<semaphore_mem>>) attributes {dimension_semantics = [#tpu.dimension_semantics<core_parallel>, #tpu.dimension_semantics<subcore_parallel>], iteration_bounds = array<i64: 2, 16>, scalar_prefetch = 0 : i64, scratch_operands = 7 : i64, tpu.core_type = #tpu.core_type<sc_vector_subcore>, window_params = [{transform_indices = #map}, {transform_indices = #map}, {transform_indices = #map}, {transform_indices = #map}]} {
    %mul3A = arith.constant 2 : i32
    %mul3A_0 = arith.muli %arg1, %mul3A : i32
    %add3A = arith.addi %mul3A_0, %arg0 : i32
    %mul3A_1 = arith.constant 128 : i32
    %mul3A_2 = arith.muli %add3A, %mul3A_1 : i32
    %mul3A_3 = arith.constant 20 : i32
    %mul3A_4 = arith.muli %mul3A_2, %mul3A_3 : i32
    %mul3A_5 = arith.constant 128 : i32
    %mul3A_6 = arith.muli %add3A, %mul3A_5 : i32
    %mul3A_7 = arith.constant 4 : i32
    %mul3A_8 = arith.muli %mul3A_6, %mul3A_7 : i32
    %dma_start3A = tpu.memref_slice %arg2[%mul3A_4] : memref<81920xi32, #tpu.memory_space<hbm>> -> memref<2560xi32, #tpu.memory_space<hbm>>
    %dma_start3A_9 = tpu.memref_slice %arg2[%mul3A_4] : memref<81920xi32, #tpu.memory_space<hbm>> -> memref<2560xi32, #tpu.memory_space<hbm>>
    tpu.enqueue_dma source(%dma_start3A_9 : memref<2560xi32, #tpu.memory_space<hbm>>) target(%arg6 : memref<2560xi32, #tpu.memory_space<vmem>>) target_semaphore(%arg10 : memref<!tpu.dma_semaphore, #tpu.memory_space<semaphore_mem>>)
    %dma_start3A_10 = tpu.memref_slice %arg3[%mul3A_4] : memref<81920xi32, #tpu.memory_space<hbm>> -> memref<2560xi32, #tpu.memory_space<hbm>>
    %dma_start3A_11 = tpu.memref_slice %arg3[%mul3A_4] : memref<81920xi32, #tpu.memory_space<hbm>> -> memref<2560xi32, #tpu.memory_space<hbm>>
    tpu.enqueue_dma source(%dma_start3A_11 : memref<2560xi32, #tpu.memory_space<hbm>>) target(%arg7 : memref<2560xi32, #tpu.memory_space<vmem>>) target_semaphore(%arg11 : memref<!tpu.dma_semaphore, #tpu.memory_space<semaphore_mem>>)
    %dma_start3A_12 = arith.constant 0 : i32
    %dma_start3A_13 = tpu.memref_slice %arg4[%dma_start3A_12] : memref<2048xf32, #tpu.memory_space<hbm>> -> memref<96xf32, #tpu.memory_space<hbm>>
    %dma_start3A_14 = arith.constant 0 : i32
    %dma_start3A_15 = tpu.memref_slice %arg4[%dma_start3A_14] : memref<2048xf32, #tpu.memory_space<hbm>> -> memref<96xf32, #tpu.memory_space<hbm>>
    tpu.enqueue_dma source(%dma_start3A_15 : memref<96xf32, #tpu.memory_space<hbm>>) target(%arg8 : memref<96xf32, #tpu.memory_space<vmem>>) target_semaphore(%arg12 : memref<!tpu.dma_semaphore, #tpu.memory_space<semaphore_mem>>)
    %dma_wait3A = tpu.memref_slice %arg2[%mul3A_4] : memref<81920xi32, #tpu.memory_space<hbm>> -> memref<2560xi32, #tpu.memory_space<hbm>>
    %dma_wait3A_16 = tpu.memref_slice %arg2[%mul3A_4] : memref<81920xi32, #tpu.memory_space<hbm>> -> memref<2560xi32, #tpu.memory_space<hbm>>
    tpu.wait_dma2 semaphore(%arg10 : memref<!tpu.dma_semaphore, #tpu.memory_space<semaphore_mem>>) src(%dma_wait3A_16 : memref<2560xi32, #tpu.memory_space<hbm>>) dst(%arg6 : memref<2560xi32, #tpu.memory_space<vmem>>)
    %dma_wait3A_17 = tpu.memref_slice %arg3[%mul3A_4] : memref<81920xi32, #tpu.memory_space<hbm>> -> memref<2560xi32, #tpu.memory_space<hbm>>
    %dma_wait3A_18 = tpu.memref_slice %arg3[%mul3A_4] : memref<81920xi32, #tpu.memory_space<hbm>> -> memref<2560xi32, #tpu.memory_space<hbm>>
    tpu.wait_dma2 semaphore(%arg11 : memref<!tpu.dma_semaphore, #tpu.memory_space<semaphore_mem>>) src(%dma_wait3A_18 : memref<2560xi32, #tpu.memory_space<hbm>>) dst(%arg7 : memref<2560xi32, #tpu.memory_space<vmem>>)
    %dma_wait3A_19 = arith.constant 0 : i32
    %dma_wait3A_20 = tpu.memref_slice %arg4[%dma_wait3A_19] : memref<2048xf32, #tpu.memory_space<hbm>> -> memref<96xf32, #tpu.memory_space<hbm>>
    %dma_wait3A_21 = arith.constant 0 : i32
    %dma_wait3A_22 = tpu.memref_slice %arg4[%dma_wait3A_21] : memref<2048xf32, #tpu.memory_space<hbm>> -> memref<96xf32, #tpu.memory_space<hbm>>
    tpu.wait_dma2 semaphore(%arg12 : memref<!tpu.dma_semaphore, #tpu.memory_space<semaphore_mem>>) src(%dma_wait3A_22 : memref<96xf32, #tpu.memory_space<hbm>>) dst(%arg8 : memref<96xf32, #tpu.memory_space<vmem>>)
    %iota3A = tpu.iota {dimensions = array<i32: 0>} : vector<16xi32>
    %broadcast_in_dim3A = arith.constant 1 : i32
    %broadcast_in_dim3A_23 = vector.broadcast %broadcast_in_dim3A : i32 to vector<16xi32>
    %parallel_loop3A = arith.constant 0 : i32
    %parallel_loop3A_24 = arith.constant 8 : i32
    %parallel_loop3A_25 = arith.constant 1 : i32
    scf.for %parallel_loop3A_26 = %parallel_loop3A to %parallel_loop3A_24 step %parallel_loop3A_25  : i32 {
      %parallel_loop3A_27 = arith.constant 16 : i32
      %parallel_loop3A_28 = arith.muli %parallel_loop3A_26, %parallel_loop3A_27 : i32
      %parallel_loop3A_29 = vector.broadcast %parallel_loop3A_28 : i32 to vector<16xi32>
      %parallel_loop3A_30 = arith.addi %parallel_loop3A_29, %iota3A : vector<16xi32>
      %parallel_loop3A_31 = arith.constant 20 : i32
      %parallel_loop3A_32 = vector.broadcast %parallel_loop3A_31 : i32 to vector<16xi32>
      %parallel_loop3A_33 = arith.muli %parallel_loop3A_30, %parallel_loop3A_32 : vector<16xi32>
      %parallel_loop3A_34 = arith.constant 0 : i32
      %parallel_loop3A_35 = vector.broadcast %parallel_loop3A_34 : i32 to vector<16xi32>
      %parallel_loop3A_36 = arith.addi %parallel_loop3A_33, %parallel_loop3A_35 : vector<16xi32>
      %parallel_loop3A_37 = tpu.vector_load_idx %arg7[%parallel_loop3A_36] : memref<2560xi32, #tpu.memory_space<vmem>>[vector<16xi32>], vector<16xi32>,
      %parallel_loop3A_38 = arith.constant 1 : i32
      %parallel_loop3A_39 = vector.broadcast %parallel_loop3A_38 : i32 to vector<16xi32>
      %parallel_loop3A_40 = arith.addi %parallel_loop3A_33, %parallel_loop3A_39 : vector<16xi32>
      %parallel_loop3A_41 = tpu.vector_load_idx %arg7[%parallel_loop3A_40] : memref<2560xi32, #tpu.memory_space<vmem>>[vector<16xi32>], vector<16xi32>,
      %parallel_loop3A_42 = arith.constant 2 : i32
      %parallel_loop3A_43 = vector.broadcast %parallel_loop3A_42 : i32 to vector<16xi32>
      %parallel_loop3A_44 = arith.addi %parallel_loop3A_33, %parallel_loop3A_43 : vector<16xi32>
      %parallel_loop3A_45 = tpu.vector_load_idx %arg7[%parallel_loop3A_44] : memref<2560xi32, #tpu.memory_space<vmem>>[vector<16xi32>], vector<16xi32>,
      %parallel_loop3A_46 = arith.constant 3 : i32
      %parallel_loop3A_47 = vector.broadcast %parallel_loop3A_46 : i32 to vector<16xi32>
      %parallel_loop3A_48 = arith.addi %parallel_loop3A_33, %parallel_loop3A_47 : vector<16xi32>
      %parallel_loop3A_49 = tpu.vector_load_idx %arg7[%parallel_loop3A_48] : memref<2560xi32, #tpu.memory_space<vmem>>[vector<16xi32>], vector<16xi32>,
      %parallel_loop3A_50 = arith.constant 4 : i32
      %parallel_loop3A_51 = vector.broadcast %parallel_loop3A_50 : i32 to vector<16xi32>
      %parallel_loop3A_52 = arith.addi %parallel_loop3A_33, %parallel_loop3A_51 : vector<16xi32>
      %parallel_loop3A_53 = tpu.vector_load_idx %arg7[%parallel_loop3A_52] : memref<2560xi32, #tpu.memory_space<vmem>>[vector<16xi32>], vector<16xi32>,
      %parallel_loop3A_54 = arith.constant 5 : i32
      %parallel_loop3A_55 = vector.broadcast %parallel_loop3A_54 : i32 to vector<16xi32>
      %parallel_loop3A_56 = arith.addi %parallel_loop3A_33, %parallel_loop3A_55 : vector<16xi32>
      %parallel_loop3A_57 = tpu.vector_load_idx %arg7[%parallel_loop3A_56] : memref<2560xi32, #tpu.memory_space<vmem>>[vector<16xi32>], vector<16xi32>,
      %parallel_loop3A_58 = arith.constant 6 : i32
      %parallel_loop3A_59 = vector.broadcast %parallel_loop3A_58 : i32 to vector<16xi32>
      %parallel_loop3A_60 = arith.addi %parallel_loop3A_33, %parallel_loop3A_59 : vector<16xi32>
      %parallel_loop3A_61 = tpu.vector_load_idx %arg7[%parallel_loop3A_60] : memref<2560xi32, #tpu.memory_space<vmem>>[vector<16xi32>], vector<16xi32>,
      %parallel_loop3A_62 = arith.constant 7 : i32
      %parallel_loop3A_63 = vector.broadcast %parallel_loop3A_62 : i32 to vector<16xi32>
      %parallel_loop3A_64 = arith.addi %parallel_loop3A_33, %parallel_loop3A_63 : vector<16xi32>
      %parallel_loop3A_65 = tpu.vector_load_idx %arg7[%parallel_loop3A_64] : memref<2560xi32, #tpu.memory_space<vmem>>[vector<16xi32>], vector<16xi32>,
      %parallel_loop3A_66 = arith.constant 8 : i32
      %parallel_loop3A_67 = vector.broadcast %parallel_loop3A_66 : i32 to vector<16xi32>
      %parallel_loop3A_68 = arith.addi %parallel_loop3A_33, %parallel_loop3A_67 : vector<16xi32>
      %parallel_loop3A_69 = tpu.vector_load_idx %arg7[%parallel_loop3A_68] : memref<2560xi32, #tpu.memory_space<vmem>>[vector<16xi32>], vector<16xi32>,
      %parallel_loop3A_70 = arith.constant 9 : i32
      %parallel_loop3A_71 = vector.broadcast %parallel_loop3A_70 : i32 to vector<16xi32>
      %parallel_loop3A_72 = arith.addi %parallel_loop3A_33, %parallel_loop3A_71 : vector<16xi32>
      %parallel_loop3A_73 = tpu.vector_load_idx %arg7[%parallel_loop3A_72] : memref<2560xi32, #tpu.memory_space<vmem>>[vector<16xi32>], vector<16xi32>,
      %parallel_loop3A_74 = arith.constant 10 : i32
      %parallel_loop3A_75 = vector.broadcast %parallel_loop3A_74 : i32 to vector<16xi32>
      %parallel_loop3A_76 = arith.addi %parallel_loop3A_33, %parallel_loop3A_75 : vector<16xi32>
      %parallel_loop3A_77 = tpu.vector_load_idx %arg7[%parallel_loop3A_76] : memref<2560xi32, #tpu.memory_space<vmem>>[vector<16xi32>], vector<16xi32>,
      %parallel_loop3A_78 = arith.constant 11 : i32
      %parallel_loop3A_79 = vector.broadcast %parallel_loop3A_78 : i32 to vector<16xi32>
      %parallel_loop3A_80 = arith.addi %parallel_loop3A_33, %parallel_loop3A_79 : vector<16xi32>
      %parallel_loop3A_81 = tpu.vector_load_idx %arg7[%parallel_loop3A_80] : memref<2560xi32, #tpu.memory_space<vmem>>[vector<16xi32>], vector<16xi32>,
      %parallel_loop3A_82 = arith.constant 12 : i32
      %parallel_loop3A_83 = vector.broadcast %parallel_loop3A_82 : i32 to vector<16xi32>
      %parallel_loop3A_84 = arith.addi %parallel_loop3A_33, %parallel_loop3A_83 : vector<16xi32>
      %parallel_loop3A_85 = tpu.vector_load_idx %arg7[%parallel_loop3A_84] : memref<2560xi32, #tpu.memory_space<vmem>>[vector<16xi32>], vector<16xi32>,
      %parallel_loop3A_86 = arith.constant 13 : i32
      %parallel_loop3A_87 = vector.broadcast %parallel_loop3A_86 : i32 to vector<16xi32>
      %parallel_loop3A_88 = arith.addi %parallel_loop3A_33, %parallel_loop3A_87 : vector<16xi32>
      %parallel_loop3A_89 = tpu.vector_load_idx %arg7[%parallel_loop3A_88] : memref<2560xi32, #tpu.memory_space<vmem>>[vector<16xi32>], vector<16xi32>,
      %parallel_loop3A_90 = arith.constant 14 : i32
      %parallel_loop3A_91 = vector.broadcast %parallel_loop3A_90 : i32 to vector<16xi32>
      %parallel_loop3A_92 = arith.addi %parallel_loop3A_33, %parallel_loop3A_91 : vector<16xi32>
      %parallel_loop3A_93 = tpu.vector_load_idx %arg7[%parallel_loop3A_92] : memref<2560xi32, #tpu.memory_space<vmem>>[vector<16xi32>], vector<16xi32>,
      %parallel_loop3A_94 = arith.constant 15 : i32
      %parallel_loop3A_95 = vector.broadcast %parallel_loop3A_94 : i32 to vector<16xi32>
      %parallel_loop3A_96 = arith.addi %parallel_loop3A_33, %parallel_loop3A_95 : vector<16xi32>
      %parallel_loop3A_97 = tpu.vector_load_idx %arg7[%parallel_loop3A_96] : memref<2560xi32, #tpu.memory_space<vmem>>[vector<16xi32>], vector<16xi32>,
      %parallel_loop3A_98 = arith.constant 16 : i32
      %parallel_loop3A_99 = vector.broadcast %parallel_loop3A_98 : i32 to vector<16xi32>
      %parallel_loop3A_100 = arith.addi %parallel_loop3A_33, %parallel_loop3A_99 : vector<16xi32>
      %parallel_loop3A_101 = tpu.vector_load_idx %arg7[%parallel_loop3A_100] : memref<2560xi32, #tpu.memory_space<vmem>>[vector<16xi32>], vector<16xi32>,
      %parallel_loop3A_102 = arith.constant 17 : i32
      %parallel_loop3A_103 = vector.broadcast %parallel_loop3A_102 : i32 to vector<16xi32>
      %parallel_loop3A_104 = arith.addi %parallel_loop3A_33, %parallel_loop3A_103 : vector<16xi32>
      %parallel_loop3A_105 = tpu.vector_load_idx %arg7[%parallel_loop3A_104] : memref<2560xi32, #tpu.memory_space<vmem>>[vector<16xi32>], vector<16xi32>,
      %parallel_loop3A_106 = arith.constant 18 : i32
      %parallel_loop3A_107 = vector.broadcast %parallel_loop3A_106 : i32 to vector<16xi32>
      %parallel_loop3A_108 = arith.addi %parallel_loop3A_33, %parallel_loop3A_107 : vector<16xi32>
      %parallel_loop3A_109 = tpu.vector_load_idx %arg7[%parallel_loop3A_108] : memref<2560xi32, #tpu.memory_space<vmem>>[vector<16xi32>], vector<16xi32>,
      %parallel_loop3A_110 = arith.constant 19 : i32
      %parallel_loop3A_111 = vector.broadcast %parallel_loop3A_110 : i32 to vector<16xi32>
      %parallel_loop3A_112 = arith.addi %parallel_loop3A_33, %parallel_loop3A_111 : vector<16xi32>
      %parallel_loop3A_113 = tpu.vector_load_idx %arg7[%parallel_loop3A_112] : memref<2560xi32, #tpu.memory_space<vmem>>[vector<16xi32>], vector<16xi32>,
      %parallel_loop3A_114 = arith.constant 0 : i32
      %parallel_loop3A_115 = vector.broadcast %parallel_loop3A_114 : i32 to vector<16xi32>
      %parallel_loop3A_116 = arith.constant 1 : i32
      %parallel_loop3A_117 = vector.broadcast %parallel_loop3A_116 : i32 to vector<16xi32>
      %parallel_loop3A_118 = arith.constant 2 : i32
      %parallel_loop3A_119 = vector.broadcast %parallel_loop3A_118 : i32 to vector<16xi32>
      %parallel_loop3A_120 = arith.constant 3 : i32
      %parallel_loop3A_121 = vector.broadcast %parallel_loop3A_120 : i32 to vector<16xi32>
      %parallel_loop3A_122 = arith.constant 4 : i32
      %parallel_loop3A_123 = vector.broadcast %parallel_loop3A_122 : i32 to vector<16xi32>
      %parallel_loop3A_124 = arith.constant 5 : i32
      %parallel_loop3A_125 = vector.broadcast %parallel_loop3A_124 : i32 to vector<16xi32>
      %parallel_loop3A_126 = arith.constant 6 : i32
      %parallel_loop3A_127 = vector.broadcast %parallel_loop3A_126 : i32 to vector<16xi32>
      %parallel_loop3A_128 = arith.constant 7 : i32
      %parallel_loop3A_129 = vector.broadcast %parallel_loop3A_128 : i32 to vector<16xi32>
      %parallel_loop3A_130 = arith.constant 8 : i32
      %parallel_loop3A_131 = vector.broadcast %parallel_loop3A_130 : i32 to vector<16xi32>
      %parallel_loop3A_132 = arith.constant 9 : i32
      %parallel_loop3A_133 = vector.broadcast %parallel_loop3A_132 : i32 to vector<16xi32>
      %parallel_loop3A_134 = arith.constant 10 : i32
      %parallel_loop3A_135 = vector.broadcast %parallel_loop3A_134 : i32 to vector<16xi32>
      %parallel_loop3A_136 = arith.constant 11 : i32
      %parallel_loop3A_137 = vector.broadcast %parallel_loop3A_136 : i32 to vector<16xi32>
      %parallel_loop3A_138 = arith.constant 12 : i32
      %parallel_loop3A_139 = vector.broadcast %parallel_loop3A_138 : i32 to vector<16xi32>
      %parallel_loop3A_140 = arith.constant 13 : i32
      %parallel_loop3A_141 = vector.broadcast %parallel_loop3A_140 : i32 to vector<16xi32>
      %parallel_loop3A_142 = arith.constant 14 : i32
      %parallel_loop3A_143 = vector.broadcast %parallel_loop3A_142 : i32 to vector<16xi32>
      %parallel_loop3A_144 = arith.constant 15 : i32
      %parallel_loop3A_145 = vector.broadcast %parallel_loop3A_144 : i32 to vector<16xi32>
      %parallel_loop3A_146 = arith.constant 16 : i32
      %parallel_loop3A_147 = vector.broadcast %parallel_loop3A_146 : i32 to vector<16xi32>
      %parallel_loop3A_148 = arith.constant 17 : i32
      %parallel_loop3A_149 = vector.broadcast %parallel_loop3A_148 : i32 to vector<16xi32>
      %parallel_loop3A_150 = arith.constant 18 : i32
      %parallel_loop3A_151 = vector.broadcast %parallel_loop3A_150 : i32 to vector<16xi32>
      %parallel_loop3A_152 = arith.constant 19 : i32
      %parallel_loop3A_153 = vector.broadcast %parallel_loop3A_152 : i32 to vector<16xi32>
      %parallel_loop3A_154 = arith.constant 20 : i32
      %parallel_loop3A_155 = vector.broadcast %parallel_loop3A_154 : i32 to vector<16xi32>
      %parallel_loop3A_156 = arith.constant 1 : i32
      %parallel_loop3A_157 = arith.constant 20 : i32
      %parallel_loop3A_158 = arith.addi %parallel_loop3A_156, %parallel_loop3A_157 : i32
      %parallel_loop3A_159 = arith.constant 2 : i32
      %parallel_loop3A_160:21 = scf.for %scan3A = %parallel_loop3A_156 to %parallel_loop3A_158 step %parallel_loop3A_159 iter_args(%scan3A_199 = %parallel_loop3A_115, %scan3A_200 = %parallel_loop3A_117, %scan3A_201 = %parallel_loop3A_119, %scan3A_202 = %parallel_loop3A_121, %scan3A_203 = %parallel_loop3A_123, %scan3A_204 = %parallel_loop3A_125, %scan3A_205 = %parallel_loop3A_127, %scan3A_206 = %parallel_loop3A_129, %scan3A_207 = %parallel_loop3A_131, %scan3A_208 = %parallel_loop3A_133, %scan3A_209 = %parallel_loop3A_135, %scan3A_210 = %parallel_loop3A_137, %scan3A_211 = %parallel_loop3A_139, %scan3A_212 = %parallel_loop3A_141, %scan3A_213 = %parallel_loop3A_143, %scan3A_214 = %parallel_loop3A_145, %scan3A_215 = %parallel_loop3A_147, %scan3A_216 = %parallel_loop3A_149, %scan3A_217 = %parallel_loop3A_151, %scan3A_218 = %parallel_loop3A_153, %scan3A_219 = %parallel_loop3A_155) -> (vector<16xi32>, vector<16xi32>, vector<16xi32>, vector<16xi32>, vector<16xi32>, vector<16xi32>, vector<16xi32>, vector<16xi32>, vector<16xi32>, vector<16xi32>, vector<16xi32>, vector<16xi32>, vector<16xi32>, vector<16xi32>, vector<16xi32>, vector<16xi32>, vector<16xi32>, vector<16xi32>, vector<16xi32>, vector<16xi32>, vector<16xi32>)  : i32 {
        %parallel_loop3A_220 = vector.broadcast %scan3A : i32 to vector<16xi32>
        %parallel_loop3A_221 = arith.addi %parallel_loop3A_33, %parallel_loop3A_220 : vector<16xi32>
        %parallel_loop3A_222 = arith.constant 1 : i32
        %parallel_loop3A_223 = vector.broadcast %parallel_loop3A_222 : i32 to vector<16xi32>
        %parallel_loop3A_224 = arith.subi %parallel_loop3A_221, %parallel_loop3A_223 : vector<16xi32>
        %parallel_loop3A_225 = tpu.vector_load_idx %arg6[%parallel_loop3A_224] : memref<2560xi32, #tpu.memory_space<vmem>>[vector<16xi32>], vector<16xi32>,
        %parallel_loop3A_226 = vector.broadcast %scan3A : i32 to vector<16xi32>
        %parallel_loop3A_227 = arith.minui %scan3A_200, %scan3A_199 : vector<16xi32>
        %parallel_loop3A_228 = arith.minui %parallel_loop3A_227, %parallel_loop3A_226 : vector<16xi32>
        %parallel_loop3A_229 = arith.cmpi eq, %parallel_loop3A_225, %parallel_loop3A_37 : vector<16xi32>
        %parallel_loop3A_230 = arith.addi %parallel_loop3A_228, %broadcast_in_dim3A_23 : vector<16xi32>
        %parallel_loop3A_231 = arith.select %parallel_loop3A_229, %scan3A_199, %parallel_loop3A_230 : vector<16xi1>, vector<16xi32>
        %parallel_loop3A_232 = arith.minui %scan3A_201, %scan3A_200 : vector<16xi32>
        %parallel_loop3A_233 = arith.minui %parallel_loop3A_232, %parallel_loop3A_231 : vector<16xi32>
        %parallel_loop3A_234 = arith.cmpi eq, %parallel_loop3A_225, %parallel_loop3A_41 : vector<16xi32>
        %parallel_loop3A_235 = arith.addi %parallel_loop3A_233, %broadcast_in_dim3A_23 : vector<16xi32>
        %parallel_loop3A_236 = arith.select %parallel_loop3A_234, %scan3A_200, %parallel_loop3A_235 : vector<16xi1>, vector<16xi32>
        %parallel_loop3A_237 = arith.minui %scan3A_202, %scan3A_201 : vector<16xi32>
        %parallel_loop3A_238 = arith.minui %parallel_loop3A_237, %parallel_loop3A_236 : vector<16xi32>
        %parallel_loop3A_239 = arith.cmpi eq, %parallel_loop3A_225, %parallel_loop3A_45 : vector<16xi32>
        %parallel_loop3A_240 = arith.addi %parallel_loop3A_238, %broadcast_in_dim3A_23 : vector<16xi32>
        %parallel_loop3A_241 = arith.select %parallel_loop3A_239, %scan3A_201, %parallel_loop3A_240 : vector<16xi1>, vector<16xi32>
        %parallel_loop3A_242 = arith.minui %scan3A_203, %scan3A_202 : vector<16xi32>
        %parallel_loop3A_243 = arith.minui %parallel_loop3A_242, %parallel_loop3A_241 : vector<16xi32>
        %parallel_loop3A_244 = arith.cmpi eq, %parallel_loop3A_225, %parallel_loop3A_49 : vector<16xi32>
        %parallel_loop3A_245 = arith.addi %parallel_loop3A_243, %broadcast_in_dim3A_23 : vector<16xi32>
        %parallel_loop3A_246 = arith.select %parallel_loop3A_244, %scan3A_202, %parallel_loop3A_245 : vector<16xi1>, vector<16xi32>
        %parallel_loop3A_247 = arith.minui %scan3A_204, %scan3A_203 : vector<16xi32>
        %parallel_loop3A_248 = arith.minui %parallel_loop3A_247, %parallel_loop3A_246 : vector<16xi32>
        %parallel_loop3A_249 = arith.cmpi eq, %parallel_loop3A_225, %parallel_loop3A_53 : vector<16xi32>
        %parallel_loop3A_250 = arith.addi %parallel_loop3A_248, %broadcast_in_dim3A_23 : vector<16xi32>
        %parallel_loop3A_251 = arith.select %parallel_loop3A_249, %scan3A_203, %parallel_loop3A_250 : vector<16xi1>, vector<16xi32>
        %parallel_loop3A_252 = arith.minui %scan3A_205, %scan3A_204 : vector<16xi32>
        %parallel_loop3A_253 = arith.minui %parallel_loop3A_252, %parallel_loop3A_251 : vector<16xi32>
        %parallel_loop3A_254 = arith.cmpi eq, %parallel_loop3A_225, %parallel_loop3A_57 : vector<16xi32>
        %parallel_loop3A_255 = arith.addi %parallel_loop3A_253, %broadcast_in_dim3A_23 : vector<16xi32>
        %parallel_loop3A_256 = arith.select %parallel_loop3A_254, %scan3A_204, %parallel_loop3A_255 : vector<16xi1>, vector<16xi32>
        %parallel_loop3A_257 = arith.minui %scan3A_206, %scan3A_205 : vector<16xi32>
        %parallel_loop3A_258 = arith.minui %parallel_loop3A_257, %parallel_loop3A_256 : vector<16xi32>
        %parallel_loop3A_259 = arith.cmpi eq, %parallel_loop3A_225, %parallel_loop3A_61 : vector<16xi32>
        %parallel_loop3A_260 = arith.addi %parallel_loop3A_258, %broadcast_in_dim3A_23 : vector<16xi32>
        %parallel_loop3A_261 = arith.select %parallel_loop3A_259, %scan3A_205, %parallel_loop3A_260 : vector<16xi1>, vector<16xi32>
        %parallel_loop3A_262 = arith.minui %scan3A_207, %scan3A_206 : vector<16xi32>
        %parallel_loop3A_263 = arith.minui %parallel_loop3A_262, %parallel_loop3A_261 : vector<16xi32>
        %parallel_loop3A_264 = arith.cmpi eq, %parallel_loop3A_225, %parallel_loop3A_65 : vector<16xi32>
        %parallel_loop3A_265 = arith.addi %parallel_loop3A_263, %broadcast_in_dim3A_23 : vector<16xi32>
        %parallel_loop3A_266 = arith.select %parallel_loop3A_264, %scan3A_206, %parallel_loop3A_265 : vector<16xi1>, vector<16xi32>
        %parallel_loop3A_267 = arith.minui %scan3A_208, %scan3A_207 : vector<16xi32>
        %parallel_loop3A_268 = arith.minui %parallel_loop3A_267, %parallel_loop3A_266 : vector<16xi32>
        %parallel_loop3A_269 = arith.cmpi eq, %parallel_loop3A_225, %parallel_loop3A_69 : vector<16xi32>
        %parallel_loop3A_270 = arith.addi %parallel_loop3A_268, %broadcast_in_dim3A_23 : vector<16xi32>
        %parallel_loop3A_271 = arith.select %parallel_loop3A_269, %scan3A_207, %parallel_loop3A_270 : vector<16xi1>, vector<16xi32>
        %parallel_loop3A_272 = arith.minui %scan3A_209, %scan3A_208 : vector<16xi32>
        %parallel_loop3A_273 = arith.minui %parallel_loop3A_272, %parallel_loop3A_271 : vector<16xi32>
        %parallel_loop3A_274 = arith.cmpi eq, %parallel_loop3A_225, %parallel_loop3A_73 : vector<16xi32>
        %parallel_loop3A_275 = arith.addi %parallel_loop3A_273, %broadcast_in_dim3A_23 : vector<16xi32>
        %parallel_loop3A_276 = arith.select %parallel_loop3A_274, %scan3A_208, %parallel_loop3A_275 : vector<16xi1>, vector<16xi32>
        %parallel_loop3A_277 = arith.minui %scan3A_210, %scan3A_209 : vector<16xi32>
        %parallel_loop3A_278 = arith.minui %parallel_loop3A_277, %parallel_loop3A_276 : vector<16xi32>
        %parallel_loop3A_279 = arith.cmpi eq, %parallel_loop3A_225, %parallel_loop3A_77 : vector<16xi32>
        %parallel_loop3A_280 = arith.addi %parallel_loop3A_278, %broadcast_in_dim3A_23 : vector<16xi32>
        %parallel_loop3A_281 = arith.select %parallel_loop3A_279, %scan3A_209, %parallel_loop3A_280 : vector<16xi1>, vector<16xi32>
        %parallel_loop3A_282 = arith.minui %scan3A_211, %scan3A_210 : vector<16xi32>
        %parallel_loop3A_283 = arith.minui %parallel_loop3A_282, %parallel_loop3A_281 : vector<16xi32>
        %parallel_loop3A_284 = arith.cmpi eq, %parallel_loop3A_225, %parallel_loop3A_81 : vector<16xi32>
        %parallel_loop3A_285 = arith.addi %parallel_loop3A_283, %broadcast_in_dim3A_23 : vector<16xi32>
        %parallel_loop3A_286 = arith.select %parallel_loop3A_284, %scan3A_210, %parallel_loop3A_285 : vector<16xi1>, vector<16xi32>
        %parallel_loop3A_287 = arith.minui %scan3A_212, %scan3A_211 : vector<16xi32>
        %parallel_loop3A_288 = arith.minui %parallel_loop3A_287, %parallel_loop3A_286 : vector<16xi32>
        %parallel_loop3A_289 = arith.cmpi eq, %parallel_loop3A_225, %parallel_loop3A_85 : vector<16xi32>
        %parallel_loop3A_290 = arith.addi %parallel_loop3A_288, %broadcast_in_dim3A_23 : vector<16xi32>
        %parallel_loop3A_291 = arith.select %parallel_loop3A_289, %scan3A_211, %parallel_loop3A_290 : vector<16xi1>, vector<16xi32>
        %parallel_loop3A_292 = arith.minui %scan3A_213, %scan3A_212 : vector<16xi32>
        %parallel_loop3A_293 = arith.minui %parallel_loop3A_292, %parallel_loop3A_291 : vector<16xi32>
        %parallel_loop3A_294 = arith.cmpi eq, %parallel_loop3A_225, %parallel_loop3A_89 : vector<16xi32>
        %parallel_loop3A_295 = arith.addi %parallel_loop3A_293, %broadcast_in_dim3A_23 : vector<16xi32>
        %parallel_loop3A_296 = arith.select %parallel_loop3A_294, %scan3A_212, %parallel_loop3A_295 : vector<16xi1>, vector<16xi32>
        %parallel_loop3A_297 = arith.minui %scan3A_214, %scan3A_213 : vector<16xi32>
        %parallel_loop3A_298 = arith.minui %parallel_loop3A_297, %parallel_loop3A_296 : vector<16xi32>
        %parallel_loop3A_299 = arith.cmpi eq, %parallel_loop3A_225, %parallel_loop3A_93 : vector<16xi32>
        %parallel_loop3A_300 = arith.addi %parallel_loop3A_298, %broadcast_in_dim3A_23 : vector<16xi32>
        %parallel_loop3A_301 = arith.select %parallel_loop3A_299, %scan3A_213, %parallel_loop3A_300 : vector<16xi1>, vector<16xi32>
        %parallel_loop3A_302 = arith.minui %scan3A_215, %scan3A_214 : vector<16xi32>
        %parallel_loop3A_303 = arith.minui %parallel_loop3A_302, %parallel_loop3A_301 : vector<16xi32>
        %parallel_loop3A_304 = arith.cmpi eq, %parallel_loop3A_225, %parallel_loop3A_97 : vector<16xi32>
        %parallel_loop3A_305 = arith.addi %parallel_loop3A_303, %broadcast_in_dim3A_23 : vector<16xi32>
        %parallel_loop3A_306 = arith.select %parallel_loop3A_304, %scan3A_214, %parallel_loop3A_305 : vector<16xi1>, vector<16xi32>
        %parallel_loop3A_307 = arith.minui %scan3A_216, %scan3A_215 : vector<16xi32>
        %parallel_loop3A_308 = arith.minui %parallel_loop3A_307, %parallel_loop3A_306 : vector<16xi32>
        %parallel_loop3A_309 = arith.cmpi eq, %parallel_loop3A_225, %parallel_loop3A_101 : vector<16xi32>
        %parallel_loop3A_310 = arith.addi %parallel_loop3A_308, %broadcast_in_dim3A_23 : vector<16xi32>
        %parallel_loop3A_311 = arith.select %parallel_loop3A_309, %scan3A_215, %parallel_loop3A_310 : vector<16xi1>, vector<16xi32>
        %parallel_loop3A_312 = arith.minui %scan3A_217, %scan3A_216 : vector<16xi32>
        %parallel_loop3A_313 = arith.minui %parallel_loop3A_312, %parallel_loop3A_311 : vector<16xi32>
        %parallel_loop3A_314 = arith.cmpi eq, %parallel_loop3A_225, %parallel_loop3A_105 : vector<16xi32>
        %parallel_loop3A_315 = arith.addi %parallel_loop3A_313, %broadcast_in_dim3A_23 : vector<16xi32>
        %parallel_loop3A_316 = arith.select %parallel_loop3A_314, %scan3A_216, %parallel_loop3A_315 : vector<16xi1>, vector<16xi32>
        %parallel_loop3A_317 = arith.minui %scan3A_218, %scan3A_217 : vector<16xi32>
        %parallel_loop3A_318 = arith.minui %parallel_loop3A_317, %parallel_loop3A_316 : vector<16xi32>
        %parallel_loop3A_319 = arith.cmpi eq, %parallel_loop3A_225, %parallel_loop3A_109 : vector<16xi32>
        %parallel_loop3A_320 = arith.addi %parallel_loop3A_318, %broadcast_in_dim3A_23 : vector<16xi32>
        %parallel_loop3A_321 = arith.select %parallel_loop3A_319, %scan3A_217, %parallel_loop3A_320 : vector<16xi1>, vector<16xi32>
        %parallel_loop3A_322 = arith.minui %scan3A_219, %scan3A_218 : vector<16xi32>
        %parallel_loop3A_323 = arith.minui %parallel_loop3A_322, %parallel_loop3A_321 : vector<16xi32>
        %parallel_loop3A_324 = arith.cmpi eq, %parallel_loop3A_225, %parallel_loop3A_113 : vector<16xi32>
        %parallel_loop3A_325 = arith.addi %parallel_loop3A_323, %broadcast_in_dim3A_23 : vector<16xi32>
        %parallel_loop3A_326 = arith.select %parallel_loop3A_324, %scan3A_218, %parallel_loop3A_325 : vector<16xi1>, vector<16xi32>
        %parallel_loop3A_327 = arith.constant 1 : i32
        %parallel_loop3A_328 = arith.addi %scan3A, %parallel_loop3A_327 : i32
        %parallel_loop3A_329 = vector.broadcast %parallel_loop3A_328 : i32 to vector<16xi32>
        %parallel_loop3A_330 = arith.addi %parallel_loop3A_33, %parallel_loop3A_329 : vector<16xi32>
        %parallel_loop3A_331 = arith.constant 1 : i32
        %parallel_loop3A_332 = vector.broadcast %parallel_loop3A_331 : i32 to vector<16xi32>
        %parallel_loop3A_333 = arith.subi %parallel_loop3A_330, %parallel_loop3A_332 : vector<16xi32>
        %parallel_loop3A_334 = tpu.vector_load_idx %arg6[%parallel_loop3A_333] : memref<2560xi32, #tpu.memory_space<vmem>>[vector<16xi32>], vector<16xi32>,
        %parallel_loop3A_335 = vector.broadcast %parallel_loop3A_328 : i32 to vector<16xi32>
        %parallel_loop3A_336 = arith.minui %parallel_loop3A_231, %parallel_loop3A_226 : vector<16xi32>
        %parallel_loop3A_337 = arith.minui %parallel_loop3A_336, %parallel_loop3A_335 : vector<16xi32>
        %parallel_loop3A_338 = arith.cmpi eq, %parallel_loop3A_334, %parallel_loop3A_37 : vector<16xi32>
        %parallel_loop3A_339 = arith.addi %parallel_loop3A_337, %broadcast_in_dim3A_23 : vector<16xi32>
        %parallel_loop3A_340 = arith.select %parallel_loop3A_338, %parallel_loop3A_226, %parallel_loop3A_339 : vector<16xi1>, vector<16xi32>
        %parallel_loop3A_341 = arith.minui %parallel_loop3A_236, %parallel_loop3A_231 : vector<16xi32>
        %parallel_loop3A_342 = arith.minui %parallel_loop3A_341, %parallel_loop3A_340 : vector<16xi32>
        %parallel_loop3A_343 = arith.cmpi eq, %parallel_loop3A_334, %parallel_loop3A_41 : vector<16xi32>
        %parallel_loop3A_344 = arith.addi %parallel_loop3A_342, %broadcast_in_dim3A_23 : vector<16xi32>
        %parallel_loop3A_345 = arith.select %parallel_loop3A_343, %parallel_loop3A_231, %parallel_loop3A_344 : vector<16xi1>, vector<16xi32>
        %parallel_loop3A_346 = arith.minui %parallel_loop3A_241, %parallel_loop3A_236 : vector<16xi32>
        %parallel_loop3A_347 = arith.minui %parallel_loop3A_346, %parallel_loop3A_345 : vector<16xi32>
        %parallel_loop3A_348 = arith.cmpi eq, %parallel_loop3A_334, %parallel_loop3A_45 : vector<16xi32>
        %parallel_loop3A_349 = arith.addi %parallel_loop3A_347, %broadcast_in_dim3A_23 : vector<16xi32>
        %parallel_loop3A_350 = arith.select %parallel_loop3A_348, %parallel_loop3A_236, %parallel_loop3A_349 : vector<16xi1>, vector<16xi32>
        %parallel_loop3A_351 = arith.minui %parallel_loop3A_246, %parallel_loop3A_241 : vector<16xi32>
        %parallel_loop3A_352 = arith.minui %parallel_loop3A_351, %parallel_loop3A_350 : vector<16xi32>
        %parallel_loop3A_353 = arith.cmpi eq, %parallel_loop3A_334, %parallel_loop3A_49 : vector<16xi32>
        %parallel_loop3A_354 = arith.addi %parallel_loop3A_352, %broadcast_in_dim3A_23 : vector<16xi32>
        %parallel_loop3A_355 = arith.select %parallel_loop3A_353, %parallel_loop3A_241, %parallel_loop3A_354 : vector<16xi1>, vector<16xi32>
        %parallel_loop3A_356 = arith.minui %parallel_loop3A_251, %parallel_loop3A_246 : vector<16xi32>
        %parallel_loop3A_357 = arith.minui %parallel_loop3A_356, %parallel_loop3A_355 : vector<16xi32>
        %parallel_loop3A_358 = arith.cmpi eq, %parallel_loop3A_334, %parallel_loop3A_53 : vector<16xi32>
        %parallel_loop3A_359 = arith.addi %parallel_loop3A_357, %broadcast_in_dim3A_23 : vector<16xi32>
        %parallel_loop3A_360 = arith.select %parallel_loop3A_358, %parallel_loop3A_246, %parallel_loop3A_359 : vector<16xi1>, vector<16xi32>
        %parallel_loop3A_361 = arith.minui %parallel_loop3A_256, %parallel_loop3A_251 : vector<16xi32>
        %parallel_loop3A_362 = arith.minui %parallel_loop3A_361, %parallel_loop3A_360 : vector<16xi32>
        %parallel_loop3A_363 = arith.cmpi eq, %parallel_loop3A_334, %parallel_loop3A_57 : vector<16xi32>
        %parallel_loop3A_364 = arith.addi %parallel_loop3A_362, %broadcast_in_dim3A_23 : vector<16xi32>
        %parallel_loop3A_365 = arith.select %parallel_loop3A_363, %parallel_loop3A_251, %parallel_loop3A_364 : vector<16xi1>, vector<16xi32>
        %parallel_loop3A_366 = arith.minui %parallel_loop3A_261, %parallel_loop3A_256 : vector<16xi32>
        %parallel_loop3A_367 = arith.minui %parallel_loop3A_366, %parallel_loop3A_365 : vector<16xi32>
        %parallel_loop3A_368 = arith.cmpi eq, %parallel_loop3A_334, %parallel_loop3A_61 : vector<16xi32>
        %parallel_loop3A_369 = arith.addi %parallel_loop3A_367, %broadcast_in_dim3A_23 : vector<16xi32>
        %parallel_loop3A_370 = arith.select %parallel_loop3A_368, %parallel_loop3A_256, %parallel_loop3A_369 : vector<16xi1>, vector<16xi32>
        %parallel_loop3A_371 = arith.minui %parallel_loop3A_266, %parallel_loop3A_261 : vector<16xi32>
        %parallel_loop3A_372 = arith.minui %parallel_loop3A_371, %parallel_loop3A_370 : vector<16xi32>
        %parallel_loop3A_373 = arith.cmpi eq, %parallel_loop3A_334, %parallel_loop3A_65 : vector<16xi32>
        %parallel_loop3A_374 = arith.addi %parallel_loop3A_372, %broadcast_in_dim3A_23 : vector<16xi32>
        %parallel_loop3A_375 = arith.select %parallel_loop3A_373, %parallel_loop3A_261, %parallel_loop3A_374 : vector<16xi1>, vector<16xi32>
        %parallel_loop3A_376 = arith.minui %parallel_loop3A_271, %parallel_loop3A_266 : vector<16xi32>
        %parallel_loop3A_377 = arith.minui %parallel_loop3A_376, %parallel_loop3A_375 : vector<16xi32>
        %parallel_loop3A_378 = arith.cmpi eq, %parallel_loop3A_334, %parallel_loop3A_69 : vector<16xi32>
        %parallel_loop3A_379 = arith.addi %parallel_loop3A_377, %broadcast_in_dim3A_23 : vector<16xi32>
        %parallel_loop3A_380 = arith.select %parallel_loop3A_378, %parallel_loop3A_266, %parallel_loop3A_379 : vector<16xi1>, vector<16xi32>
        %parallel_loop3A_381 = arith.minui %parallel_loop3A_276, %parallel_loop3A_271 : vector<16xi32>
        %parallel_loop3A_382 = arith.minui %parallel_loop3A_381, %parallel_loop3A_380 : vector<16xi32>
        %parallel_loop3A_383 = arith.cmpi eq, %parallel_loop3A_334, %parallel_loop3A_73 : vector<16xi32>
        %parallel_loop3A_384 = arith.addi %parallel_loop3A_382, %broadcast_in_dim3A_23 : vector<16xi32>
        %parallel_loop3A_385 = arith.select %parallel_loop3A_383, %parallel_loop3A_271, %parallel_loop3A_384 : vector<16xi1>, vector<16xi32>
        %parallel_loop3A_386 = arith.minui %parallel_loop3A_281, %parallel_loop3A_276 : vector<16xi32>
        %parallel_loop3A_387 = arith.minui %parallel_loop3A_386, %parallel_loop3A_385 : vector<16xi32>
        %parallel_loop3A_388 = arith.cmpi eq, %parallel_loop3A_334, %parallel_loop3A_77 : vector<16xi32>
        %parallel_loop3A_389 = arith.addi %parallel_loop3A_387, %broadcast_in_dim3A_23 : vector<16xi32>
        %parallel_loop3A_390 = arith.select %parallel_loop3A_388, %parallel_loop3A_276, %parallel_loop3A_389 : vector<16xi1>, vector<16xi32>
        %parallel_loop3A_391 = arith.minui %parallel_loop3A_286, %parallel_loop3A_281 : vector<16xi32>
        %parallel_loop3A_392 = arith.minui %parallel_loop3A_391, %parallel_loop3A_390 : vector<16xi32>
        %parallel_loop3A_393 = arith.cmpi eq, %parallel_loop3A_334, %parallel_loop3A_81 : vector<16xi32>
        %parallel_loop3A_394 = arith.addi %parallel_loop3A_392, %broadcast_in_dim3A_23 : vector<16xi32>
        %parallel_loop3A_395 = arith.select %parallel_loop3A_393, %parallel_loop3A_281, %parallel_loop3A_394 : vector<16xi1>, vector<16xi32>
        %parallel_loop3A_396 = arith.minui %parallel_loop3A_291, %parallel_loop3A_286 : vector<16xi32>
        %parallel_loop3A_397 = arith.minui %parallel_loop3A_396, %parallel_loop3A_395 : vector<16xi32>
        %parallel_loop3A_398 = arith.cmpi eq, %parallel_loop3A_334, %parallel_loop3A_85 : vector<16xi32>
        %parallel_loop3A_399 = arith.addi %parallel_loop3A_397, %broadcast_in_dim3A_23 : vector<16xi32>
        %parallel_loop3A_400 = arith.select %parallel_loop3A_398, %parallel_loop3A_286, %parallel_loop3A_399 : vector<16xi1>, vector<16xi32>
        %parallel_loop3A_401 = arith.minui %parallel_loop3A_296, %parallel_loop3A_291 : vector<16xi32>
        %parallel_loop3A_402 = arith.minui %parallel_loop3A_401, %parallel_loop3A_400 : vector<16xi32>
        %parallel_loop3A_403 = arith.cmpi eq, %parallel_loop3A_334, %parallel_loop3A_89 : vector<16xi32>
        %parallel_loop3A_404 = arith.addi %parallel_loop3A_402, %broadcast_in_dim3A_23 : vector<16xi32>
        %parallel_loop3A_405 = arith.select %parallel_loop3A_403, %parallel_loop3A_291, %parallel_loop3A_404 : vector<16xi1>, vector<16xi32>
        %parallel_loop3A_406 = arith.minui %parallel_loop3A_301, %parallel_loop3A_296 : vector<16xi32>
        %parallel_loop3A_407 = arith.minui %parallel_loop3A_406, %parallel_loop3A_405 : vector<16xi32>
        %parallel_loop3A_408 = arith.cmpi eq, %parallel_loop3A_334, %parallel_loop3A_93 : vector<16xi32>
        %parallel_loop3A_409 = arith.addi %parallel_loop3A_407, %broadcast_in_dim3A_23 : vector<16xi32>
        %parallel_loop3A_410 = arith.select %parallel_loop3A_408, %parallel_loop3A_296, %parallel_loop3A_409 : vector<16xi1>, vector<16xi32>
        %parallel_loop3A_411 = arith.minui %parallel_loop3A_306, %parallel_loop3A_301 : vector<16xi32>
        %parallel_loop3A_412 = arith.minui %parallel_loop3A_411, %parallel_loop3A_410 : vector<16xi32>
        %parallel_loop3A_413 = arith.cmpi eq, %parallel_loop3A_334, %parallel_loop3A_97 : vector<16xi32>
        %parallel_loop3A_414 = arith.addi %parallel_loop3A_412, %broadcast_in_dim3A_23 : vector<16xi32>
        %parallel_loop3A_415 = arith.select %parallel_loop3A_413, %parallel_loop3A_301, %parallel_loop3A_414 : vector<16xi1>, vector<16xi32>
        %parallel_loop3A_416 = arith.minui %parallel_loop3A_311, %parallel_loop3A_306 : vector<16xi32>
        %parallel_loop3A_417 = arith.minui %parallel_loop3A_416, %parallel_loop3A_415 : vector<16xi32>
        %parallel_loop3A_418 = arith.cmpi eq, %parallel_loop3A_334, %parallel_loop3A_101 : vector<16xi32>
        %parallel_loop3A_419 = arith.addi %parallel_loop3A_417, %broadcast_in_dim3A_23 : vector<16xi32>
        %parallel_loop3A_420 = arith.select %parallel_loop3A_418, %parallel_loop3A_306, %parallel_loop3A_419 : vector<16xi1>, vector<16xi32>
        %parallel_loop3A_421 = arith.minui %parallel_loop3A_316, %parallel_loop3A_311 : vector<16xi32>
        %parallel_loop3A_422 = arith.minui %parallel_loop3A_421, %parallel_loop3A_420 : vector<16xi32>
        %parallel_loop3A_423 = arith.cmpi eq, %parallel_loop3A_334, %parallel_loop3A_105 : vector<16xi32>
        %parallel_loop3A_424 = arith.addi %parallel_loop3A_422, %broadcast_in_dim3A_23 : vector<16xi32>
        %parallel_loop3A_425 = arith.select %parallel_loop3A_423, %parallel_loop3A_311, %parallel_loop3A_424 : vector<16xi1>, vector<16xi32>
        %parallel_loop3A_426 = arith.minui %parallel_loop3A_321, %parallel_loop3A_316 : vector<16xi32>
        %parallel_loop3A_427 = arith.minui %parallel_loop3A_426, %parallel_loop3A_425 : vector<16xi32>
        %parallel_loop3A_428 = arith.cmpi eq, %parallel_loop3A_334, %parallel_loop3A_109 : vector<16xi32>
        %parallel_loop3A_429 = arith.addi %parallel_loop3A_427, %broadcast_in_dim3A_23 : vector<16xi32>
        %parallel_loop3A_430 = arith.select %parallel_loop3A_428, %parallel_loop3A_316, %parallel_loop3A_429 : vector<16xi1>, vector<16xi32>
        %parallel_loop3A_431 = arith.minui %parallel_loop3A_326, %parallel_loop3A_321 : vector<16xi32>
        %parallel_loop3A_432 = arith.minui %parallel_loop3A_431, %parallel_loop3A_430 : vector<16xi32>
        %parallel_loop3A_433 = arith.cmpi eq, %parallel_loop3A_334, %parallel_loop3A_113 : vector<16xi32>
        %parallel_loop3A_434 = arith.addi %parallel_loop3A_432, %broadcast_in_dim3A_23 : vector<16xi32>
        %parallel_loop3A_435 = arith.select %parallel_loop3A_433, %parallel_loop3A_321, %parallel_loop3A_434 : vector<16xi1>, vector<16xi32>
        scf.yield %parallel_loop3A_335, %parallel_loop3A_340, %parallel_loop3A_345, %parallel_loop3A_350, %parallel_loop3A_355, %parallel_loop3A_360, %parallel_loop3A_365, %parallel_loop3A_370, %parallel_loop3A_375, %parallel_loop3A_380, %parallel_loop3A_385, %parallel_loop3A_390, %parallel_loop3A_395, %parallel_loop3A_400, %parallel_loop3A_405, %parallel_loop3A_410, %parallel_loop3A_415, %parallel_loop3A_420, %parallel_loop3A_425, %parallel_loop3A_430, %parallel_loop3A_435 : vector<16xi32>, vector<16xi32>, vector<16xi32>, vector<16xi32>, vector<16xi32>, vector<16xi32>, vector<16xi32>, vector<16xi32>, vector<16xi32>, vector<16xi32>, vector<16xi32>, vector<16xi32>, vector<16xi32>, vector<16xi32>, vector<16xi32>, vector<16xi32>, vector<16xi32>, vector<16xi32>, vector<16xi32>, vector<16xi32>, vector<16xi32>
      }
      %parallel_loop3A_161 = arith.constant 20 : i32
      %parallel_loop3A_162 = arith.constant 23 : i32
      %parallel_loop3A_163 = vector.broadcast %parallel_loop3A_162 : i32 to vector<16xi32>
      %parallel_loop3A_164 = arith.minui %parallel_loop3A_160#20, %parallel_loop3A_163 : vector<16xi32>
      %parallel_loop3A_165 = arith.constant 4 : i32
      %parallel_loop3A_166 = vector.broadcast %parallel_loop3A_165 : i32 to vector<16xi32>
      %parallel_loop3A_167 = arith.muli %parallel_loop3A_164, %parallel_loop3A_166 : vector<16xi32>
      %parallel_loop3A_168 = arith.constant 4 : i32
      %parallel_loop3A_169 = vector.broadcast %parallel_loop3A_168 : i32 to vector<16xi32>
      %parallel_loop3A_170 = arith.muli %parallel_loop3A_30, %parallel_loop3A_169 : vector<16xi32>
      %parallel_loop3A_171 = arith.constant 0 : i32
      %parallel_loop3A_172 = vector.broadcast %parallel_loop3A_171 : i32 to vector<16xi32>
      %parallel_loop3A_173 = arith.addi %parallel_loop3A_167, %parallel_loop3A_172 : vector<16xi32>
      %parallel_loop3A_174 = tpu.vector_load_idx %arg8[%parallel_loop3A_173] : memref<96xf32, #tpu.memory_space<vmem>>[vector<16xi32>], vector<16xf32>,
      %parallel_loop3A_175 = arith.constant 0 : i32
      %parallel_loop3A_176 = vector.broadcast %parallel_loop3A_175 : i32 to vector<16xi32>
      %parallel_loop3A_177 = arith.addi %parallel_loop3A_170, %parallel_loop3A_176 : vector<16xi32>
      tpu.vector_store_idx %arg9[%parallel_loop3A_177], %parallel_loop3A_174 : memref<512xf32, #tpu.memory_space<vmem>>[vector<16xi32>], vector<16xf32>,
      %parallel_loop3A_178 = arith.constant 1 : i32
      %parallel_loop3A_179 = vector.broadcast %parallel_loop3A_178 : i32 to vector<16xi32>
      %parallel_loop3A_180 = arith.addi %parallel_loop3A_167, %parallel_loop3A_179 : vector<16xi32>
      %parallel_loop3A_181 = tpu.vector_load_idx %arg8[%parallel_loop3A_180] : memref<96xf32, #tpu.memory_space<vmem>>[vector<16xi32>], vector<16xf32>,
      %parallel_loop3A_182 = arith.constant 1 : i32
      %parallel_loop3A_183 = vector.broadcast %parallel_loop3A_182 : i32 to vector<16xi32>
      %parallel_loop3A_184 = arith.addi %parallel_loop3A_170, %parallel_loop3A_183 : vector<16xi32>
      tpu.vector_store_idx %arg9[%parallel_loop3A_184], %parallel_loop3A_181 : memref<512xf32, #tpu.memory_space<vmem>>[vector<16xi32>], vector<16xf32>,
      %parallel_loop3A_185 = arith.constant 2 : i32
      %parallel_loop3A_186 = vector.broadcast %parallel_loop3A_185 : i32 to vector<16xi32>
      %parallel_loop3A_187 = arith.addi %parallel_loop3A_167, %parallel_loop3A_186 : vector<16xi32>
      %parallel_loop3A_188 = tpu.vector_load_idx %arg8[%parallel_loop3A_187] : memref<96xf32, #tpu.memory_space<vmem>>[vector<16xi32>], vector<16xf32>,
      %parallel_loop3A_189 = arith.constant 2 : i32
      %parallel_loop3A_190 = vector.broadcast %parallel_loop3A_189 : i32 to vector<16xi32>
      %parallel_loop3A_191 = arith.addi %parallel_loop3A_170, %parallel_loop3A_190 : vector<16xi32>
      tpu.vector_store_idx %arg9[%parallel_loop3A_191], %parallel_loop3A_188 : memref<512xf32, #tpu.memory_space<vmem>>[vector<16xi32>], vector<16xf32>,
      %parallel_loop3A_192 = arith.constant 3 : i32
      %parallel_loop3A_193 = vector.broadcast %parallel_loop3A_192 : i32 to vector<16xi32>
      %parallel_loop3A_194 = arith.addi %parallel_loop3A_167, %parallel_loop3A_193 : vector<16xi32>
      %parallel_loop3A_195 = tpu.vector_load_idx %arg8[%parallel_loop3A_194] : memref<96xf32, #tpu.memory_space<vmem>>[vector<16xi32>], vector<16xf32>,
      %parallel_loop3A_196 = arith.constant 3 : i32
      %parallel_loop3A_197 = vector.broadcast %parallel_loop3A_196 : i32 to vector<16xi32>
      %parallel_loop3A_198 = arith.addi %parallel_loop3A_170, %parallel_loop3A_197 : vector<16xi32>
      tpu.vector_store_idx %arg9[%parallel_loop3A_198], %parallel_loop3A_195 : memref<512xf32, #tpu.memory_space<vmem>>[vector<16xi32>], vector<16xf32>,
    } {sc.loop_unroll_factor = 1 : i64, sc.parallel_access}
    "tpu.region"() ({
      %run_scoped3A = tpu.sem_alloc : memref<!tpu.dma_semaphore, #tpu.memory_space<semaphore_mem>>
      %dma_start3A_26 = tpu.memref_slice %arg5[%mul3A_8] : memref<16384xf32, #tpu.memory_space<hbm>> -> memref<512xf32, #tpu.memory_space<hbm>>
      %dma_start3A_27 = tpu.memref_slice %arg5[%mul3A_8] : memref<16384xf32, #tpu.memory_space<hbm>> -> memref<512xf32, #tpu.memory_space<hbm>>
      tpu.enqueue_dma source(%arg9 : memref<512xf32, #tpu.memory_space<vmem>>) target(%dma_start3A_27 : memref<512xf32, #tpu.memory_space<hbm>>) target_semaphore(%run_scoped3A : memref<!tpu.dma_semaphore, #tpu.memory_space<semaphore_mem>>)
      %dma_wait3A_28 = tpu.memref_slice %arg5[%mul3A_8] : memref<16384xf32, #tpu.memory_space<hbm>> -> memref<512xf32, #tpu.memory_space<hbm>>
      %dma_wait3A_29 = tpu.memref_slice %arg5[%mul3A_8] : memref<16384xf32, #tpu.memory_space<hbm>> -> memref<512xf32, #tpu.memory_space<hbm>>
      tpu.wait_dma2 semaphore(%run_scoped3A : memref<!tpu.dma_semaphore, #tpu.memory_space<semaphore_mem>>) src(%arg9 : memref<512xf32, #tpu.memory_space<vmem>>) dst(%dma_wait3A_29 : memref<512xf32, #tpu.memory_space<hbm>>)
      tpu.yield
    }) : () -> ()
    return
  }
}

</mosaic_0001>

<sc_bundles>
// kernel: kernel.3.cloned.1.call-start
scs
__scs_entry_jumppad:
0x0: {  	(pc) =	sbr.rel $0x88, $3  }
0x1: {  	(tag) =	ssettag $0x0;
	lr =	simm.s32 $0x1  }
0x2: {  	[smem:$0x3F9E] =	sst lr;
	_ =	strace $0xD0000000  }
0x3: {  	_ = 	snop  }
0x4: {  	_ = 	snop  }
0x5: {  	_ = 	snop  }
0x6: {  	_ = 	snop  }
0x7: {  	_ = 	snop  }
__scs_overlays_trampoline_lowered:
0x8: {  	[smem:$0x3FAD] =	sst s0  }
0x9: {  	[smem:$0x3FAE] =	sst s1  }
0xa: {  	[smem:$0x3FAF] =	sst s2  }
0xb: {  	[smem:$0x3FB0] =	sst s3  }
0xc: {  	[smem:$0x3FB1] =	sst s4  }
0xd: {  	[smem:$0x3FB2] =	sst s5  }
0xe: {  	[smem:$0x3FB3] =	sst s6  }
0xf: {  	[smem:$0x3FB4] =	sst s7  }
0x10: {  	[smem:$0x3FB5] =	sst s8  }
0x11: {  	[smem:$0x3FB6] =	sst s9;
	s0 =	simm.s32 @!p0 $0x0  }
0x12: {  	s1 =	sld [smem:$0x3F9C];
	s0 =	simm.s32 @p0 $0x1  }
0x13: {  	[smem:$0x3FB7] =	sst s0;
	s0 =	simm.s32 @!p1 $0x0  }
0x14: {  	s2 =	sld [smem:$0x3F9B];
	s0 =	simm.s32 @p1 $0x1  }
0x15: {  	[smem:$0x3FB8] =	sst s0;
	s0 =	simm.s32 @!p2 $0x0  }
0x16: {  	s3 =	sld [smem:$0x3FDB];
	s0 =	simm.s32 @p2 $0x1  }
0x17: {  	s4 =	simm.s32 $0x1BF5;
	[smem:$0x3FBA] =	sst s0  }
0x18: {  	s0 =	sld [smem:$0x3F9D];
	_ =	swait.ge [sflag:s4], $0x0  }
0x19: {  	s7 =	sld [smem:$0x3F9E]  }
0x1a: {  	s8 =	sadd.s32 $0xFFFFE003, lr  }
0x1b: {  	s9 =	sadd.s32 $0xFFFFFEF7, lr;
	s5 =	simm.s32 $0xFFFFFFFF;
	p2 =	slt.u32 s8, $0xFFFFF086  }
0x1c: {  	p1 =	slt.u32 s9, $0xF7A;
	s5 =	simm.s32 @!p2 $0x0  }
0x1d: {  	s5 =	simm.s32 @p1 $0x1;
	p0 =	seq.s32 s7, s2  }
0x1e: {  	s7 =	smul.u32 @!p0 $0xF7A, s2;
	p2 =	seq.s32 @!p0 s5, $0x0  }
0x1f: {  	s9 =	smul.u32 $0xF7A, s1;
	s8 =	simm.s32 @!p0 $0x1BF5;
	p2 =	por !p2, p0  }
0x20: {  	[sflag:s8] =	ssyncset.s32 @!p0 $0xFFFFF086;
	s6 =	sadd.s32 @!p0 s3, s7;
	s7 =	simm.s32 @!p0 $0x108  }
0x21: {  	s3 =	sadd.s32 s3, s9;
	s6 =	sadd.s32 @!p0 $0x88, s6;
	s7 =	simm.s32 @p2 $0x1082  }
0x22: {  	[simem:s7], [sflag:s8] =	dma.local @!p0 [hbm:s6], $0xF7A  }
0x23: {  	s9 =	sor.u32 $0xD0000000, s2;
	s6 =	simm.s32 $0x108;
	_ =	swait.ge @!p0 [sflag:s8], $0x0  }
0x24: {  	s3 =	sadd.s32 $0x88, s3;
	s6 =	simm.s32 @!p1 $0x1082;
	[sflag:s4] =	ssyncset.s32 $0xFFFFF086  }
0x25: {  	[simem:s6], [sflag:s4] =	dma.local [hbm:s3], $0xF7A  }
0x26: {  	[smem:$0x3F9E] =	sst s1;
	(tag) =	ssettag s2;
	_ =	strace s9  }
0x27: {  	s1 =	sld [smem:$0x3FAE]  }
0x28: {  	s2 =	sld [smem:$0x3FAF]  }
0x29: {  	s4 =	sld [smem:$0x3FB1]  }
0x2a: {  	p0 =	seq.s32 s5, $0x0;
	s5 =	sld [smem:$0x3FB2]  }
0x2b: {  	s6 =	sld [smem:$0x3FB3]  }
0x2c: {  	s7 =	sld [smem:$0x3FB4]  }
0x2d: {  	s3 =	simm.s32 $0x108;
	s8 =	sld [smem:$0x3FB5]  }
0x2e: {  	s3 =	simm.s32 @!p0 $0x1082;
	s9 =	sld [smem:$0x3FB6]  }
0x2f: {  	lr =	sadd.s32 s0, s3;
	s0 =	sld [smem:$0x3FAD]  }
0x30: {  	s3 =	sld [smem:$0x3FB0]  }
0x31: {  	[smem:$0x3FB9] =	sst s10  }
0x32: {  	s10 =	sld [smem:$0x3FB7];
	_ =	sdelay $0x3  }
0x33: {  	p0 =	seq.s32 s10, $0x1;
	s10 =	sld [smem:$0x3FB9];
	_ =	sdelay $0x3  }
0x34: {  	[smem:$0x3FB9] =	sst s10  }
0x35: {  	s10 =	sld [smem:$0x3FB8];
	_ =	sdelay $0x3  }
0x36: {  	p1 =	seq.s32 s10, $0x1;
	s10 =	sld [smem:$0x3FB9];
	_ =	sdelay $0x3  }
0x37: {  	[smem:$0x3FB9] =	sst s10  }
0x38: {  	s10 =	sld [smem:$0x3FBA]  }
0x39: {  	_ = 	snop;
	(pc) =	sbr.ind lr, $3  }
0x3a: {  	_ = 	snop  }
0x3b: {  	_ = 	snop  }
0x3c: {  	p2 =	seq.s32 s10, $0x1;
	s10 =	sld [smem:$0x3FB9]  }
0x3d: {  	_ =	shalt  }
0x3e: {  	_ =	shalt  }
0x3f: {  	_ =	shalt  }
0x40: {  	_ =	shalt  }
0x41: {  	_ =	shalt  }
0x42: {  	_ =	shalt  }
0x43: {  	_ =	shalt  }
0x44: {  	_ =	shalt  }
0x45: {  	_ =	shalt  }
0x46: {  	_ =	shalt  }
0x47: {  	_ =	shalt  }
0x48: {  	_ =	shalt  }
0x49: {  	_ =	shalt  }
0x4a: {  	_ =	shalt  }
0x4b: {  	_ =	shalt  }
0x4c: {  	_ =	shalt  }
0x4d: {  	_ =	shalt  }
0x4e: {  	_ =	shalt  }
0x4f: {  	_ =	shalt  }
0x50: {  	_ =	shalt  }
0x51: {  	_ =	shalt  }
0x52: {  	_ =	shalt  }
0x53: {  	_ =	shalt  }
0x54: {  	_ =	shalt  }
0x55: {  	_ =	shalt  }
0x56: {  	_ =	shalt  }
0x57: {  	_ =	shalt  }
0x58: {  	_ =	shalt  }
0x59: {  	_ =	shalt  }
0x5a: {  	_ =	shalt  }
0x5b: {  	_ =	shalt  }
0x5c: {  	_ =	shalt  }
0x5d: {  	_ =	shalt  }
0x5e: {  	_ =	shalt  }
0x5f: {  	_ =	shalt  }
0x60: {  	_ =	shalt  }
0x61: {  	_ =	shalt  }
0x62: {  	_ =	shalt  }
0x63: {  	_ =	shalt  }
0x64: {  	_ =	shalt  }
0x65: {  	_ =	shalt  }
0x66: {  	_ =	shalt  }
0x67: {  	_ =	shalt  }
0x68: {  	_ =	shalt  }
0x69: {  	_ =	shalt  }
0x6a: {  	_ =	shalt  }
0x6b: {  	_ =	shalt  }
0x6c: {  	_ =	shalt  }
0x6d: {  	_ =	shalt  }
0x6e: {  	_ =	shalt  }
0x6f: {  	_ =	shalt  }
0x70: {  	_ =	shalt  }
0x71: {  	_ =	shalt  }
0x72: {  	_ =	shalt  }
0x73: {  	_ =	shalt  }
0x74: {  	_ =	shalt  }
0x75: {  	_ =	shalt  }
0x76: {  	_ =	shalt  }
0x77: {  	_ =	shalt  }
0x78: {  	_ =	shalt  }
0x79: {  	_ =	shalt  }
0x7a: {  	_ =	shalt  }
0x7b: {  	_ =	shalt  }
0x7c: {  	_ =	shalt  }
0x7d: {  	_ =	shalt  }
0x7e: {  	_ =	shalt  }
0x7f: {  	_ =	shalt  }
0x80: {  	_ =	shalt  }
0x81: {  	_ =	shalt  }
0x82: {  	_ =	shalt  }
0x83: {  	_ =	shalt  }
0x84: {  	_ =	shalt  }
0x85: {  	_ =	shalt  }
0x86: {  	_ =	shalt  }
0x87: {  	_ =	shalt  }
.Lfunc_end0:
.L_simem_size_0:
called_computation_lowered:
.L_overlay_start_0:
0x88: {  	s2 =	sld [smem:$0x3FD9]  }
0x89: {  	s3 =	sld [smem:$0x3FFE];
	_ =	sdelay $0x1  }
0x8a: {  	s1 =	srdreg.scid  }
0x8b: {  	s0 =	sand.u32 $0x1, s1  }
0x8c: {  	s17 =	sshll.u32 s0, $0xA;
	s2 =	sadd.s32 s3, s2  }
0x8d: {  	s2 =	sadd.s32 s2, s17  }
0x8e: {  	[smem:$0x3FC5] =	sst s2  }
0x8f: {  	_ = 	snop  }
0x90: {  	s2 =	sld [smem:$0x3FD0];
	(tm) =	ssettm $0x1  }
0x91: {  	s18 =	sld [smem:$0x3FFB];
	_ =	sdelay $0x3  }
0x92: {  	_ =	strace s18  }
0x93: {  	s3 =	sld [smem:$0x3FFC];
	_ =	sdelay $0x3  }
0x94: {  	_ =	strace s3  }
0x95: {  	s3 =	sld [smem:$0x3FFD];
	_ =	sdelay $0x3  }
0x96: {  	_ =	strace s3  }
0x97: {  	_ =	strace $0x8FFFFFFF  }
0x98: {  	s19 =	sld [smem:$0x3FDB];
	_ =	sdelay $0x1  }
0x99: {  	s4 =	simm.s32 $_scs_section_size  }
0x9a: {  	s5 =	simm.s32 $_size__tile_overlayer_lowered;
	s6 =	simm.s32 $_tile_overlayer_lowered  }
0x9b: {  	s22 =	simm.s32 $0x1BFF;
	s21 =	sshll.u32 s6, $0x1;
	s3 =	sadd.s32 s4, s19  }
0x9c: {  	s7 =	simm.s32 $0x0;
	s20 =	sshll.u32 s5, $0x1;
	s5 =	sadd.s32 s21, s3  }
0x9d: {  	[timem:s7], [sflag:s22] =	dma.local [hbm:s5], s20  }
0x9e: {  	_ =	swait.ge [sflag:s22], s20  }
0x9f: {  	s4 =	ssub.s32 $0x0, s20;
	[sflag:s22] =	ssyncset.done $0x0  }
0xa0: {  	[sflag:s22] =	ssyncadd.s32 s4;
	_ =	sdelay $0x1  }
0xa1: {  	s23 =	simm.s32 $0x1B8B  }
0xa2: {  	_ =	swait.ge [sflag:s23], $0x1  }
0xa3: {  	[sflag:s23] =	ssyncset.done $0x0  }
0xa4: {  	s25 =	simm.s32 $0x1B8E;
	s24 =	sld [smem:$0x3FFE];
	[sflag:s23] =	ssyncadd.s32 $0xFFFFFFFF  }
0xa5: {  	s26 =	simm.s32 $execute0_lowered;
	[smem:$0x3FD2] =	sst s25  }
0xa6: {  	s5 =	sshll.u32 s26, $0x1;
	_ =	strace $0x80000046;
	[dreg:$0x1] =	wrdreg $0xFFFFFFFF  }
0xa7: {  	s28 =	simm.s32 $_size_execute0_lowered;
	s3 =	sadd.s32 s3, s5;
	[dreg:$0x0] =	wrdreg $0x0  }
0xa8: {  	s5 =	sshll.u32 s28, $0x1;
	[dreg:$0x2] =	wrdreg s3  }
0xa9: {  	[dreg:$0x3] =	wrdreg s5  }
0xaa: {  	[dreg:$0x4] =	wrdreg $0xC0  }
0xab: {  	_ =	task [dreg:s7], $0x5FFFF  }
0xac: {  	[dreg:$0x1] =	wrdreg $0xFFFFFFFF  }
0xad: {  	[dreg:$0x0] =	wrdreg $0x60  }
0xae: {  	[dreg:$0x2] =	wrdreg s24  }
0xaf: {  	[dreg:$0x3] =	wrdreg s2  }
0xb0: {  	[dreg:$0x4] =	wrdreg $0x9  }
0xb1: {  	_ =	task.clear_ibuf [dreg:s7], $0x5FFFF;
	_ =	strace $0x90000046  }
0xb2: {  	s29 =	simm.s32 $0x9;
	_ =	strace $0x80000048  }
0xb3: {  	_ =	swait.ge [sflag:s29], $0x1  }
0xb4: {  	[sflag:s29] =	ssyncadd.s32 $0xFFFFFFFF  }
0xb5: {  	_ =	strace $0x90000048  }
0xb6: {  	_ =	sfence  }
0xb7: {  	s30 =	sld [smem:$0x0];
	_ =	sdelay $0x2  }
0xb8: {  	s31 =	sshll.u32 s1, $0xD;
	s1 =	sshrl.u32 s1, $0x2  }
0xb9: {  	s3 =	sand.u32 $0x4000, s31;
	s1 =	sadd.s32 s1, s30  }
0xba: {  	s0 =	sor.u32 s3, s0;
	s1 =	sshll.u32 s1, $0x11  }
0xbb: {  	s0 =	sor.u32 s1, s0  }
0xbc: {  	s0 =	sadd.s32 $0x8F2B, s0  }
0xbd: {  	[sflag:s0] =	ssyncadd.remote.s32 $0x1  }
0xbe: {  	_ =	sfence.sel $0xFFFF  }
0xbf: {  	[dreg:$0x0] =	wrdreg $0xFFFFFFFF;
	(pc) =	sbr.abs _section_cstart, $3  }
0xc0: {  	[dreg:$0x1] =	wrdreg $0xFFFFFFFF  }
0xc1: {  	_ =	task.clear_ibuf [dreg:s7], $0x2FFFF;
	_ =	strace $0x9FFFFFFF  }
0xc2: {  	(tm) =	ssettm $0x7FFFFFFF  }
0xc3: {  	_ =	shalt  }
tec
execute0_lowered:
.L_overlay_start_1:
0x0: {  	(tag) =	ssettag $0x1  }
0x1: {  	s1 =	srdreg.scid  }
0x2: {  	s0 =	stileid.u32;
	s3 =	rddreg [dreg:$0x0]  }
0x3: {  	s6 =	rddreg [dreg:$0x1];
	s2 =	simm.s32 $0x0;
	s10 =	simm.s32 $0x1  }
0x4: {  	s11 =	simm.s32 $0x2;
	s12 =	simm.s32 $0x3;
	s13 =	simm.s32 $0x1480  }
0x5: {  	s14 =	simm.s32 $0x4;
	s4 =	sand.u32 $0x1, s1;
	s31 =	sshll.u32 s0, $0x1  }
0x6: {  	s15 =	simm.s32 $0x0;
	s1 =	rddreg [dreg:$0x2];
	s5 =	sor.u32 s4, s31  }
0x7: {  	[smem:$0x7FF] =	sst s2;
	s4 =	ssub.s32 $0x2, s4;
	s7 =	smul.u32 $0x140, s5  }
0x8: {  	_ =	strace $0x80000047;
	s8 =	sshrl.u32 s4, $0x1;
	s9 =	sshll.u32 s5, $0x6  }
0x9: {  	s8 =	ssub.s32 s4, s8;
	s6 =	sadd.s32 s6, s9;
	s7 =	sadd.s32 s7, s3  }
0xa: {  	s9 =	simm.s32 $0x1400;
	s3 =	sadd.s32 $0x5800, s3;
	s4 =	sadd.s32 $0x800, s7  }
0xb: {  	v0 =	vlaneseq.u32;
	s5 =	sadd.s32 $0x3000, s7;
	s7 =	smax.u32 s8, $0x1;
	s8 =	simm.s32 $0xA00  }
.LBB2_1:
0xc: {  	[tilespmem:s2], [sflag:$0x1] =	stream.linear.gather [hbm4b:s4+s2], $0xA00, $0x38;
	[tilespmem:$0x1680] =	vst v63  }
0xd: {  	_ = 	snop  }
0xe: {  	[tilespmem:s8], [sflag:$0x2] =	stream.linear.gather [hbm4b:s5+s2], $0xA00, $0x38;
	[tilespmem:$0x1680] =	vst v63  }
0xf: {  	_ = 	snop  }
0x10: {  	[tilespmem:s9], [sflag:$0x3] =	stream.linear.gather [hbm4b:s3+s2], $0x60, $0x38;
	[tilespmem:$0x1680] =	vst v63  }
0x11: {  	_ =	swait.ge [sflag:s10], $0xA00  }
0x12: {  	[sflag:s10] =	ssyncset.done $0x0  }
0x13: {  	[sflag:s10] =	ssyncadd.s32 $0xFFFFF600  }
0x14: {  	_ =	swait.ge [sflag:s11], $0xA00  }
0x15: {  	[sflag:s11] =	ssyncset.done $0x0  }
0x16: {  	[sflag:s11] =	ssyncadd.s32 $0xFFFFF600  }
0x17: {  	_ =	swait.ge [sflag:s12], $0x60  }
0x18: {  	[sflag:s12] =	ssyncset.done $0x0  }
0x19: {  	s16 =	simm.s32 $0x0;
	[sflag:s12] =	ssyncadd.s32 $0xFFFFFFA0  }
.LBB2_2:
0x1a: {  	s17 =	sshll.u32 s16, $0x4  }
0x1b: {  	v1 =	vor.u32 s17, v0  }
0x1c: {  	v23 =	vmul.u32 $0x14, v1;
	_ =	sdelay $0x1  }
0x1d: {  	s18 =	simm.s32 $0x1;
	v13 =	vadd.s32 $0xFFFFFFFF, v23  }
0x1e: {  	v2 =	vadd.s32 s18, v13;
	_ =	sdelay $0x2  }
0x1f: {  	v4 =	vimm.s32 $0x1;
	v3 =	vor.u32 $0x1, v23  }
0x20: {  	v6 =	vimm.s32 $0x0;
	v9 =	vimm.s32 $0x2;
	v11 =	vimm.s32 $0x3;
	s17 =	simm.s32 $0x2;
	v7 =	vld.idx.msk [tilespmem:v23+s8+$0x0], $0xffff  }
0x21: {  	v36 =	vimm.s32 $0xD;
	v38 =	vimm.s32 $0xE;
	v43 =	vld.idx.msk [tilespmem:v2+s2+$0x0], $0xffff;
	v2 =	vadd.s32 s17, v13  }
0x22: {  	v40 =	vimm.s32 $0xF;
	v42 =	vimm.s32 $0x10;
	v8 =	vmin.u32 v4, v6  }
0x23: {  	v54 =	vimm.s32 $0x12;
	v8 =	vmin.u32 v8, s18;
	v5 =	vor.u32 $0x2, v23  }
0x24: {  	v49 =	vmin.u32 v40, v38;
	v8 =	vadd.s32 $0x1, v8;
	v10 =	vor.u32 $0x3, v23;
	v3 =	vld.idx.msk [tilespmem:v3+s8+$0x0], $0xffff  }
0x25: {  	v14 =	vadd.s32 $0x4, v23;
	v16 =	vadd.s32 $0x5, v23;
	v33 =	vadd.s32 $0xC, v23  }
0x26: {  	v34 =	vadd.s32 $0xD, v23;
	v46 =	vadd.s32 $0xE, v23;
	v2 =	vld.idx.msk [tilespmem:v2+s2+$0x0], $0xffff;
	vm0 =	veq.s32 v43, v7  }
0x27: {  	v47 =	vadd.s32 $0xF, v23;
	v8 =	vsel vm0, v6, v8;
	v6 =	vmin.u32 v9, v4  }
0x28: {  	v48 =	vadd.s32 $0x10, v23;
	v44 =	vadd.s32 $0x11, v23;
	v5 =	vld.idx.msk [tilespmem:v5+s8+$0x0], $0xffff;
	v6 =	vmin.u32 v6, v8  }
0x29: {  	vm0 =	veq.s32 v43, v3;
	v12 =	vmin.u32 v8, s18;
	v6 =	vadd.s32 $0x1, v6  }
0x2a: {  	v12 =	vmin.u32 v12, s17;
	v15 =	vsel vm0, v4, v6;
	v6 =	vmin.u32 v11, v9  }
0x2b: {  	v12 =	vadd.s32 $0x1, v12;
	v4 =	vld.idx.msk [tilespmem:v10+s8+$0x0], $0xffff;
	v10 =	vimm.s32 $0x4;
	vm0 =	veq.s32 v2, v7  }
0x2c: {  	v6 =	vmin.u32 v6, v15;
	v24 =	vsel vm0, s18, v12;
	v12 =	vmin.u32 v15, v8  }
0x2d: {  	vm0 =	veq.s32 v43, v5;
	v6 =	vadd.s32 $0x1, v6;
	v12 =	vmin.u32 v12, v24  }
0x2e: {  	v17 =	vsel vm0, v9, v6;
	vm0 =	veq.s32 v2, v3;
	v9 =	vmin.u32 v10, v11  }
0x2f: {  	v6 =	vld.idx.msk [tilespmem:v14+s8+$0x0], $0xffff;
	v14 =	vimm.s32 $0x5;
	v12 =	vadd.s32 $0x1, v12;
	v9 =	vmin.u32 v9, v17  }
0x30: {  	v22 =	vsel vm0, v8, v12;
	vm0 =	veq.s32 v43, v4;
	v8 =	vmin.u32 v17, v15  }
0x31: {  	v9 =	vadd.s32 $0x1, v9;
	v12 =	vadd.s32 $0x6, v23;
	v8 =	vmin.u32 v8, v22  }
0x32: {  	v11 =	vsel vm0, v11, v9;
	vm0 =	veq.s32 v2, v5;
	v9 =	vmin.u32 v14, v10  }
0x33: {  	v18 =	vadd.s32 $0x1, v8;
	v8 =	vld.idx.msk [tilespmem:v16+s8+$0x0], $0xffff;
	v16 =	vimm.s32 $0x6;
	v9 =	vmin.u32 v9, v11  }
0x34: {  	v25 =	vsel vm0, v15, v18;
	vm0 =	veq.s32 v43, v6;
	v15 =	vmin.u32 v11, v17  }
0x35: {  	v9 =	vadd.s32 $0x1, v9;
	v18 =	vadd.s32 $0x7, v23;
	v15 =	vmin.u32 v15, v25  }
0x36: {  	v19 =	vsel vm0, v10, v9;
	vm0 =	veq.s32 v2, v4;
	v10 =	vmin.u32 v16, v14  }
0x37: {  	v15 =	vadd.s32 $0x1, v15;
	v9 =	vld.idx.msk [tilespmem:v12+s8+$0x0], $0xffff;
	v12 =	vimm.s32 $0x7;
	v10 =	vmin.u32 v10, v19  }
0x38: {  	v26 =	vsel vm0, v17, v15;
	v15 =	vmin.u32 v19, v11;
	v10 =	vadd.s32 $0x1, v10  }
0x39: {  	v17 =	vadd.s32 $0x8, v23;
	v20 =	vmin.u32 v12, v16;
	vm0 =	veq.s32 v43, v8  }
0x3a: {  	v15 =	vmin.u32 v15, v26;
	v14 =	vsel vm0, v14, v10;
	vm0 =	veq.s32 v2, v6  }
0x3b: {  	v15 =	vadd.s32 $0x1, v15;
	v10 =	vld.idx.msk [tilespmem:v18+s8+$0x0], $0xffff;
	v18 =	vimm.s32 $0x8;
	v20 =	vmin.u32 v20, v14  }
0x3c: {  	v28 =	vsel vm0, v11, v15;
	v11 =	vmin.u32 v14, v19;
	vm0 =	veq.s32 v43, v9  }
0x3d: {  	v15 =	vadd.s32 $0x1, v20;
	v20 =	vadd.s32 $0x9, v23;
	v11 =	vmin.u32 v11, v28  }
0x3e: {  	v15 =	vsel vm0, v16, v15;
	vm0 =	veq.s32 v2, v8;
	v16 =	vmin.u32 v18, v12  }
0x3f: {  	v21 =	vadd.s32 $0x1, v11;
	v11 =	vld.idx.msk [tilespmem:v17+s8+$0x0], $0xffff;
	v17 =	vimm.s32 $0x9;
	v16 =	vmin.u32 v16, v15  }
0x40: {  	v29 =	vsel vm0, v19, v21;
	v19 =	vmin.u32 v15, v14;
	v21 =	vadd.s32 $0xA, v23  }
0x41: {  	v27 =	vmin.u32 v17, v18;
	vm0 =	veq.s32 v43, v10;
	v16 =	vadd.s32 $0x1, v16  }
0x42: {  	v19 =	vmin.u32 v19, v29;
	v16 =	vsel vm0, v12, v16;
	vm0 =	veq.s32 v2, v9  }
0x43: {  	v19 =	vadd.s32 $0x1, v19;
	v12 =	vld.idx.msk [tilespmem:v20+s8+$0x0], $0xffff;
	v20 =	vimm.s32 $0xA;
	v27 =	vmin.u32 v27, v16  }
0x44: {  	v30 =	vsel vm0, v14, v19;
	v14 =	vmin.u32 v16, v15;
	vm0 =	veq.s32 v43, v11  }
0x45: {  	v19 =	vadd.s32 $0x1, v27;
	v27 =	vadd.s32 $0xB, v23;
	v14 =	vmin.u32 v14, v30  }
0x46: {  	v18 =	vsel vm0, v18, v19;
	vm0 =	veq.s32 v2, v10;
	v31 =	vadd.s32 $0x1, v14  }
0x47: {  	v19 =	vmin.u32 v20, v17;
	v14 =	vld.idx.msk [tilespmem:v21+s8+$0x0], $0xffff;
	v31 =	vsel vm0, v15, v31;
	v15 =	vmin.u32 v18, v16  }
0x48: {  	v21 =	vimm.s32 $0xB;
	v19 =	vmin.u32 v19, v18;
	v15 =	vmin.u32 v15, v31  }
0x49: {  	v19 =	vadd.s32 $0x1, v19;
	vm0 =	veq.s32 v43, v12;
	v32 =	vadd.s32 $0x1, v15  }
0x4a: {  	v19 =	vsel vm0, v17, v19;
	vm0 =	veq.s32 v2, v11;
	v17 =	vmin.u32 v21, v20  }
0x4b: {  	v15 =	vld.idx.msk [tilespmem:v27+s8+$0x0], $0xffff;
	v27 =	vimm.s32 $0xC;
	v17 =	vmin.u32 v17, v19;
	v32 =	vsel vm0, v16, v32  }
0x4c: {  	vm0 =	veq.s32 v43, v14;
	v16 =	vmin.u32 v19, v18;
	v17 =	vadd.s32 $0x1, v17  }
0x4d: {  	v37 =	vmin.u32 v36, v27;
	v16 =	vmin.u32 v16, v32;
	v20 =	vsel vm0, v20, v17  }
0x4e: {  	vm0 =	veq.s32 v2, v12;
	v17 =	vmin.u32 v27, v21;
	v35 =	vadd.s32 $0x1, v16;
	v16 =	vld.idx.msk [tilespmem:v33+s8+$0x0], $0xffff  }
0x4f: {  	v17 =	vmin.u32 v17, v20;
	v33 =	vsel vm0, v18, v35;
	v18 =	vmin.u32 v20, v19  }
0x50: {  	vm0 =	veq.s32 v43, v15;
	v17 =	vadd.s32 $0x1, v17;
	v18 =	vmin.u32 v18, v33  }
0x51: {  	v21 =	vsel vm0, v21, v17;
	vm0 =	veq.s32 v2, v14;
	v18 =	vadd.s32 $0x1, v18  }
0x52: {  	v52 =	vadd.s32 $0x12, v23;
	v17 =	vld.idx.msk [tilespmem:v34+s8+$0x0], $0xffff;
	v37 =	vmin.u32 v37, v21;
	v34 =	vsel vm0, v19, v18  }
0x53: {  	v18 =	vmin.u32 v21, v20;
	vm0 =	veq.s32 v43, v16;
	v19 =	vadd.s32 $0x1, v37  }
0x54: {  	v56 =	vadd.s32 $0x13, v23;
	v18 =	vmin.u32 v18, v34;
	v27 =	vsel vm0, v27, v19  }
0x55: {  	vm0 =	veq.s32 v2, v15;
	v19 =	vmin.u32 v38, v36;
	v39 =	vadd.s32 $0x1, v18;
	v18 =	vld.idx.msk [tilespmem:v46+s8+$0x0], $0xffff  }
0x56: {  	v19 =	vmin.u32 v19, v27;
	v35 =	vsel vm0, v20, v39;
	v20 =	vmin.u32 v27, v21  }
0x57: {  	vm0 =	veq.s32 v43, v17;
	v19 =	vadd.s32 $0x1, v19;
	v20 =	vmin.u32 v20, v35  }
0x58: {  	s18 =	simm.s32 $0x3;
	v41 =	vsel vm0, v36, v19;
	vm0 =	veq.s32 v2, v16;
	v20 =	vadd.s32 $0x1, v20  }
0x59: {  	v60 =	vadd.s32 s18, v13;
	v19 =	vld.idx.msk [tilespmem:v47+s8+$0x0], $0xffff;
	v50 =	vmin.u32 v49, v41;
	v36 =	vsel vm0, v21, v20  }
0x5a: {  	v20 =	vmin.u32 v41, v27;
	vm0 =	veq.s32 v43, v18;
	v21 =	vadd.s32 $0x1, v50  }
0x5b: {  	v46 =	vimm.s32 $0x11;
	v20 =	vmin.u32 v20, v36;
	v45 =	vsel vm0, v38, v21  }
0x5c: {  	vm0 =	veq.s32 v2, v17;
	v21 =	vmin.u32 v42, v40;
	v51 =	vadd.s32 $0x1, v20;
	v20 =	vld.idx.msk [tilespmem:v48+s8+$0x0], $0xffff  }
0x5d: {  	v53 =	vmin.u32 v46, v42;
	v21 =	vmin.u32 v21, v45;
	v37 =	vsel vm0, v27, v51  }
0x5e: {  	v27 =	vmin.u32 v45, v41;
	vm0 =	veq.s32 v43, v19;
	v21 =	vadd.s32 $0x1, v21  }
0x5f: {  	v49 =	vimm.s32 $0x14;
	v27 =	vmin.u32 v27, v37;
	v40 =	vsel vm0, v40, v21  }
0x60: {  	vm0 =	veq.s32 v2, v18;
	v27 =	vadd.s32 $0x1, v27;
	v47 =	vmin.u32 v53, v40  }
0x61: {  	v21 =	vld.idx.msk [tilespmem:v44+s8+$0x0], $0xffff;
	v38 =	vsel vm0, v41, v27;
	v27 =	vmin.u32 v40, v45;
	vm0 =	veq.s32 v43, v20  }
0x62: {  	v55 =	vadd.s32 $0x1, v47;
	v23 =	vmin.u32 v27, v38;
	v27 =	vmin.u32 v54, v46  }
0x63: {  	v41 =	vsel vm0, v42, v55;
	vm0 =	veq.s32 v2, v19;
	v57 =	vadd.s32 $0x1, v23  }
0x64: {  	v23 =	vld.idx.msk [tilespmem:v52+s8+$0x0], $0xffff;
	v42 =	vimm.s32 $0x13;
	v27 =	vmin.u32 v27, v41;
	v39 =	vsel vm0, v45, v57  }
0x65: {  	v58 =	vmin.u32 v41, v40;
	v59 =	vmin.u32 v42, v54;
	v62 =	vmin.u32 v49, v42  }
0x66: {  	vm0 =	veq.s32 v43, v21;
	v27 =	vadd.s32 $0x1, v27;
	v45 =	vmin.u32 v58, v39  }
0x67: {  	v48 =	vsel vm0, v46, v27;
	vm0 =	veq.s32 v2, v20;
	v45 =	vadd.s32 $0x1, v45;
	v27 =	vld.idx.msk [tilespmem:v56+s8+$0x0], $0xffff  }
0x68: {  	v46 =	vmin.u32 v59, v48;
	v40 =	vsel vm0, v40, v45;
	v61 =	vmin.u32 v48, v41  }
0x69: {  	vm0 =	veq.s32 v43, v23;
	v46 =	vadd.s32 $0x1, v46;
	v45 =	vmin.u32 v61, v40  }
0x6a: {  	v46 =	vsel vm0, v54, v46;
	vm0 =	veq.s32 v2, v21;
	v45 =	vadd.s32 $0x1, v45  }
0x6b: {  	v44 =	vmin.u32 v62, v46;
	v41 =	vsel vm0, v41, v45;
	v63 =	vmin.u32 v46, v48  }
0x6c: {  	s19 =	simm.s32 $0x5;
	v47 =	vld.idx.msk [tilespmem:v60+s2+$0x0], $0xffff;
	vm0 =	veq.s32 v43, v27;
	v44 =	vadd.s32 $0x1, v44;
	v43 =	vmin.u32 v63, v41  }
.LBB2_3:
0x6d: {  	v44 =	vsel vm0, v42, v44;
	vm0 =	veq.s32 v2, v23  }
0x6e: {  	v58 =	vadd.s32 $0x1, v43;
	v49 =	vmov s17;
	vm2 =	veq.s32 v2, v27  }
0x6f: {  	v53 =	vimm.s32 $0x0;
	v42 =	vsel vm0, v48, v58;
	v44 =	vmin.u32 v44, v46  }
0x70: {  	s20 =	sadd.s32 $0x1, s18;
	v51 =	vimm.s32 $0x0;
	v61 =	vmin.u32 v22, v24;
	v54 =	vmin.u32 v44, v42  }
0x71: {  	v59 =	vadd.s32 s20, v13;
	v60 =	vmin.u32 v24, v49;
	v2 =	vadd.s32 $0x1, v54  }
0x72: {  	vm0 =	veq.s32 v47, v21;
	v45 =	vsel vm2, v46, v2;
	v2 =	vimm.s32 $0x0  }
0x73: {  	v44 =	vmovc v47;
	v46 =	vmin.u32 v60, s18;
	v52 =	vsel vm0, $0xFFFFFFFF, v53;
	vm0 =	veq.s32 v47, v23  }
0x74: {  	vm4 =	veq.s32 v44, v18;
	vm3 =	veq.s32 v44, v19;
	vm7 =	veq.s32 v44, v15  }
0x75: {  	vm6 =	veq.s32 v44, v16;
	vm5 =	veq.s32 v44, v17;
	vm10 =	veq.s32 v44, v11  }
0x76: {  	vm9 =	veq.s32 v44, v12;
	vm8 =	veq.s32 v44, v14;
	vm12 =	veq.s32 v44, v9  }
0x77: {  	vm11 =	veq.s32 v44, v10;
	v50 =	vsel vm0, $0xFFFFFFFF, v51;
	vm0 =	veq.s32 v44, v20  }
0x78: {  	v46 =	vadd.s32 $0x1, v46;
	v2 =	vsel vm0, $0xFFFFFFFF, v2;
	vm0 =	veq.s32 v44, v7  }
0x79: {  	v43 =	vadd.s32 s19, v13;
	vm14 =	veq.s32 v44, v6;
	[tilespmem:$0x1FFD0] =	vst v2;
	v2 =	vld.idx.msk [tilespmem:v59+s2+$0x0], $0xffff;
	v46 =	vsel vm0, v49, v46  }
0x7a: {  	vm13 =	veq.s32 v44, v8;
	vm15 =	veq.s32 v44, v4;
	v47 =	vmin.u32 v61, v46  }
0x7b: {  	s17 =	smov.u32 s20;
	vm0 =	veq.s32 v44, v3;
	v62 =	vmin.u32 v46, s18;
	v47 =	vadd.s32 $0x1, v47  }
0x7c: {  	v48 =	vmin.u32 v62, s17;
	v47 =	vsel vm0, v24, v47;
	v24 =	vmin.u32 v25, v22  }
0x7d: {  	vm2 =	veq.s32 v44, v5;
	v48 =	vadd.s32 $0x1, v48;
	v63 =	vmin.u32 v24, v47  }
0x7e: {  	[tilespmem:$0x1FFE0] =	vst v52;
	v52 =	vmin.u32 v47, v46;
	vm1 =	veq.s32 v2, v7;
	v49 =	vadd.s32 $0x1, v63  }
0x7f: {  	v24 =	vsel vm1, s18, v48;
	v49 =	vsel vm2, v22, v49;
	v22 =	vmin.u32 v26, v25  }
0x80: {  	vm0 =	veq.s32 v2, v3;
	v48 =	vmin.u32 v52, v24;
	v53 =	vmin.u32 v22, v49  }
0x81: {  	v54 =	vmin.u32 v49, v47;
	v48 =	vadd.s32 $0x1, v48;
	v55 =	vadd.s32 $0x1, v53  }
0x82: {  	v22 =	vsel vm0, v46, v48;
	v48 =	vsel vm15, v25, v55;
	v25 =	vmin.u32 v28, v26  }
0x83: {  	vm0 =	veq.s32 v2, v5;
	v46 =	vmin.u32 v54, v22;
	v56 =	vmin.u32 v25, v48  }
0x84: {  	v57 =	vmin.u32 v48, v49;
	v46 =	vadd.s32 $0x1, v46;
	v58 =	vadd.s32 $0x1, v56  }
0x85: {  	v25 =	vsel vm0, v47, v46;
	v47 =	vsel vm14, v26, v58;
	v26 =	vmin.u32 v29, v28  }
0x86: {  	vm0 =	veq.s32 v2, v4;
	v46 =	vmin.u32 v57, v25;
	v59 =	vmin.u32 v26, v47  }
0x87: {  	v60 =	vmin.u32 v47, v48;
	v46 =	vadd.s32 $0x1, v46;
	v61 =	vadd.s32 $0x1, v59  }
0x88: {  	v26 =	vsel vm0, v49, v46;
	v49 =	vsel vm13, v28, v61;
	v28 =	vmin.u32 v30, v29  }
0x89: {  	vm0 =	veq.s32 v2, v6;
	v46 =	vmin.u32 v60, v26;
	v62 =	vmin.u32 v28, v49  }
0x8a: {  	v63 =	vmin.u32 v49, v47;
	v46 =	vadd.s32 $0x1, v46;
	v52 =	vadd.s32 $0x1, v62  }
0x8b: {  	v62 =	vmin.u32 v34, v33;
	v28 =	vsel vm0, v48, v46;
	vm0 =	veq.s32 v2, v8  }
0x8c: {  	v48 =	vsel vm12, v29, v52;
	v29 =	vmin.u32 v31, v30;
	v46 =	vmin.u32 v63, v28  }
0x8d: {  	v53 =	vmin.u32 v29, v48;
	v54 =	vmin.u32 v48, v49;
	v46 =	vadd.s32 $0x1, v46  }
0x8e: {  	v55 =	vadd.s32 $0x1, v53;
	v53 =	vmin.u32 v35, v34;
	v29 =	vsel vm0, v47, v46  }
0x8f: {  	v47 =	vsel vm11, v30, v55;
	v30 =	vmin.u32 v32, v31;
	v46 =	vmin.u32 v54, v29  }
0x90: {  	vm0 =	veq.s32 v2, v9;
	v56 =	vmin.u32 v30, v47;
	v46 =	vadd.s32 $0x1, v46  }
0x91: {  	v57 =	vmin.u32 v47, v48;
	v58 =	vadd.s32 $0x1, v56;
	v30 =	vsel vm0, v49, v46  }
0x92: {  	v49 =	vsel vm10, v31, v58;
	v31 =	vmin.u32 v33, v32;
	v46 =	vmin.u32 v57, v30  }
0x93: {  	vm0 =	veq.s32 v2, v10;
	v59 =	vmin.u32 v31, v49;
	v46 =	vadd.s32 $0x1, v46  }
0x94: {  	v60 =	vmin.u32 v49, v47;
	v61 =	vadd.s32 $0x1, v59;
	v31 =	vsel vm0, v48, v46  }
0x95: {  	v57 =	vmin.u32 v36, v35;
	v48 =	vsel vm9, v32, v61;
	v46 =	vmin.u32 v60, v31  }
0x96: {  	vm0 =	veq.s32 v2, v11;
	v63 =	vmin.u32 v62, v48;
	v46 =	vadd.s32 $0x1, v46  }
0x97: {  	v51 =	vmin.u32 v48, v49;
	v52 =	vadd.s32 $0x1, v63;
	v32 =	vsel vm0, v47, v46  }
0x98: {  	v61 =	vmin.u32 v37, v36;
	v47 =	vsel vm8, v33, v52;
	v46 =	vmin.u32 v51, v32  }
0x99: {  	vm0 =	veq.s32 v2, v12;
	v54 =	vmin.u32 v53, v47;
	v46 =	vadd.s32 $0x1, v46  }
0x9a: {  	v55 =	vmin.u32 v47, v48;
	v56 =	vadd.s32 $0x1, v54;
	v33 =	vsel vm0, v49, v46  }
0x9b: {  	v51 =	vmin.u32 v38, v37;
	v49 =	vsel vm7, v34, v56;
	v46 =	vmin.u32 v55, v33  }
0x9c: {  	vm0 =	veq.s32 v2, v14;
	v58 =	vmin.u32 v57, v49;
	v46 =	vadd.s32 $0x1, v46  }
0x9d: {  	v59 =	vmin.u32 v49, v47;
	v60 =	vadd.s32 $0x1, v58;
	v34 =	vsel vm0, v48, v46  }
0x9e: {  	v55 =	vmin.u32 v39, v38;
	v48 =	vsel vm6, v35, v60;
	v46 =	vmin.u32 v59, v34  }
0x9f: {  	vm0 =	veq.s32 v2, v15;
	v62 =	vmin.u32 v61, v48;
	v46 =	vadd.s32 $0x1, v46  }
0xa0: {  	[tilespmem:$0x1FFF0] =	vst v50;
	v63 =	vmin.u32 v48, v49;
	v50 =	vadd.s32 $0x1, v62;
	v35 =	vsel vm0, v47, v46  }
0xa1: {  	v59 =	vmin.u32 v40, v39;
	v62 =	vld [tilespmem:$0x1FFD0];
	v47 =	vsel vm5, v36, v50;
	v46 =	vmin.u32 v63, v35  }
0xa2: {  	vm0 =	veq.s32 v2, v16;
	v52 =	vmin.u32 v51, v47;
	v46 =	vadd.s32 $0x1, v46  }
0xa3: {  	v53 =	vmin.u32 v47, v48;
	v54 =	vadd.s32 $0x1, v52;
	v36 =	vsel vm0, v49, v46  }
0xa4: {  	vm0 =	veq.s32 v2, v17;
	v49 =	vsel vm4, v37, v54;
	v46 =	vmin.u32 v53, v36  }
0xa5: {  	v56 =	vmin.u32 v55, v49;
	v57 =	vmin.u32 v49, v47;
	v46 =	vadd.s32 $0x1, v46  }
0xa6: {  	vm1 =	vnez.u8 v62;
	v53 =	vmin.u32 v41, v40;
	v55 =	vld [tilespmem:$0x1FFE0];
	v37 =	vsel vm0, v48, v46  }
0xa7: {  	v58 =	vadd.s32 $0x1, v56;
	v56 =	vmin.u32 v42, v41;
	v46 =	vmin.u32 v57, v37  }
0xa8: {  	vm0 =	veq.s32 v2, v18;
	v50 =	vsel vm3, v38, v58;
	v46 =	vadd.s32 $0x1, v46  }
0xa9: {  	v48 =	vmin.u32 v59, v50;
	v60 =	vmin.u32 v50, v49;
	v38 =	vsel vm0, v47, v46  }
0xaa: {  	v61 =	vadd.s32 $0x1, v48;
	vm0 =	veq.s32 v2, v19;
	v46 =	vmin.u32 v60, v38  }
0xab: {  	v59 =	vld [tilespmem:$0x1FFF0];
	v63 =	vsel vm1, v39, v61;
	vm1 =	vnez.u8 v55;
	v46 =	vadd.s32 $0x1, v46  }
0xac: {  	v47 =	vmin.u32 v53, v63;
	v54 =	vmin.u32 v63, v50;
	v39 =	vsel vm0, v49, v46  }
0xad: {  	v60 =	vmin.u32 v45, v42;
	v47 =	vadd.s32 $0x1, v47;
	v46 =	vmin.u32 v54, v39  }
0xae: {  	p0 =	slt.u32 s19, $0x13;
	vm0 =	veq.s32 v2, v20;
	v48 =	vsel vm1, v40, v47;
	v46 =	vadd.s32 $0x1, v46  }
.Ltmp0:
0xaf: {  	v47 =	vmin.u32 v56, v48;
	v57 =	vmin.u32 v48, v63;
	v40 =	vsel vm0, v50, v46;
	(pc) =	sbr.rel @p0 .LBB2_3-.Ltmp0, $4  }
0xb0: {  	vm1 =	vnez.u8 v59;
	v47 =	vadd.s32 $0x1, v47;
	v58 =	vmin.u32 v57, v40  }
0xb1: {  	vm0 =	veq.s32 v2, v21;
	v46 =	vsel vm1, v41, v47;
	v61 =	vadd.s32 $0x1, v58  }
0xb2: {  	v62 =	vmin.u32 v60, v46;
	v41 =	vsel vm0, v63, v61;
	v63 =	vmin.u32 v46, v48  }
0xb3: {  	s18 =	smov.u32 s19;
	s19 =	sadd.s32 $0x2, s19;
	v47 =	vld.idx.msk [tilespmem:v43+s2+$0x0], $0xffff;
	vm0 =	veq.s32 v44, v27;
	v44 =	vadd.s32 $0x1, v62;
	v43 =	vmin.u32 v63, v41  }
0xb4: {  	s19 =	sadd.s32 $0x1, s18;
	v45 =	vmov s17  }
0xb5: {  	v42 =	vsel vm0, v42, v44;
	vm1 =	veq.s32 v2, v23;
	v13 =	vadd.s32 s19, v13  }
0xb6: {  	v52 =	vmin.u32 v22, v24;
	v43 =	vadd.s32 $0x1, v43;
	v49 =	vmin.u32 v24, v45  }
0xb7: {  	v55 =	vmin.u32 v25, v22;
	v61 =	vmin.u32 v28, v26;
	v49 =	vmin.u32 v49, s18  }
0xb8: {  	v42 =	vmin.u32 v42, v46;
	v51 =	vadd.s32 $0x1, v49;
	vm11 =	veq.s32 v47, v7  }
0xb9: {  	vm12 =	veq.s32 v47, v3;
	vm14 =	veq.s32 v47, v5;
	v44 =	vsel vm11, v45, v51  }
0xba: {  	vm15 =	veq.s32 v47, v4;
	vm6 =	veq.s32 v47, v6;
	v13 =	vld.idx.msk [tilespmem:v13+s2+$0x0], $0xffff;
	v45 =	vmin.u32 v52, v44  }
0xbb: {  	vm7 =	veq.s32 v47, v8;
	v53 =	vmin.u32 v44, s18;
	v45 =	vadd.s32 $0x1, v45  }
0xbc: {  	vm9 =	veq.s32 v47, v9;
	v49 =	vmin.u32 v53, s19;
	v45 =	vsel vm12, v24, v45  }
0xbd: {  	v51 =	vmin.u32 v30, v29;
	v54 =	vadd.s32 $0x1, v49;
	v24 =	vmin.u32 v55, v45  }
0xbe: {  	vm12 =	veq.s32 v47, v11;
	v50 =	vmin.u32 v45, v44;
	v57 =	vadd.s32 $0x1, v24  }
0xbf: {  	vm13 =	veq.s32 v13, v7;
	v7 =	vsel vm1, v48, v43;
	v58 =	vsel vm14, v22, v57  }
0xc0: {  	vm4 =	veq.s32 v13, v3;
	v3 =	vmin.u32 v26, v25;
	vm5 =	veq.s32 v13, v5  }
0xc1: {  	vm8 =	veq.s32 v13, v4;
	vm10 =	veq.s32 v13, v6;
	vm11 =	veq.s32 v13, v8  }
0xc2: {  	v57 =	vmin.u32 v32, v31;
	vm14 =	veq.s32 v13, v9;
	v43 =	vmin.u32 v39, v38  }
0xc3: {  	v49 =	vsel vm13, s18, v54;
	v24 =	vmin.u32 v42, v7;
	v3 =	vmin.u32 v3, v58  }
0xc4: {  	v60 =	vmin.u32 v58, v45;
	v54 =	vmin.u32 v31, v30;
	v56 =	vmin.u32 v50, v49  }
0xc5: {  	vm13 =	veq.s32 v47, v10;
	v3 =	vadd.s32 $0x1, v3;
	v59 =	vadd.s32 $0x1, v56  }
0xc6: {  	v3 =	vsel vm15, v25, v3;
	vm15 =	veq.s32 v47, v12;
	v42 =	vsel vm4, v44, v59  }
0xc7: {  	v5 =	vmin.u32 v61, v3;
	v63 =	vmin.u32 v3, v58;
	v42 =	vmin.u32 v60, v42  }
0xc8: {  	v44 =	vmin.u32 v29, v28;
	vm4 =	veq.s32 v13, v10;
	v62 =	vadd.s32 $0x1, v42  }
0xc9: {  	v59 =	vmin.u32 v33, v32;
	v5 =	vadd.s32 $0x1, v5;
	v25 =	vsel vm5, v45, v62  }
0xca: {  	v5 =	vsel vm6, v26, v5;
	vm6 =	veq.s32 v47, v15;
	v25 =	vmin.u32 v63, v25  }
0xcb: {  	v48 =	vmin.u32 v44, v5;
	v49 =	vmin.u32 v5, v3;
	v45 =	vadd.s32 $0x1, v25  }
0xcc: {  	vm5 =	veq.s32 v13, v11;
	v62 =	vmin.u32 v34, v33;
	v4 =	vsel vm8, v58, v45  }
0xcd: {  	v25 =	vadd.s32 $0x1, v48;
	v48 =	vmin.u32 v40, v39;
	v4 =	vmin.u32 v49, v4  }
0xce: {  	v50 =	vsel vm7, v28, v25;
	vm7 =	veq.s32 v47, v14;
	v4 =	vadd.s32 $0x1, v4  }
0xcf: {  	v6 =	vmin.u32 v51, v50;
	v52 =	vmin.u32 v50, v5;
	v3 =	vsel vm10, v3, v4  }
0xd0: {  	v25 =	vmin.u32 v35, v34;
	v6 =	vadd.s32 $0x1, v6;
	v3 =	vmin.u32 v52, v3  }
0xd1: {  	vm8 =	veq.s32 v13, v12;
	v53 =	vsel vm9, v29, v6;
	v3 =	vadd.s32 $0x1, v3  }
0xd2: {  	v6 =	vmin.u32 v54, v53;
	v55 =	vmin.u32 v53, v50;
	v3 =	vsel vm11, v5, v3  }
0xd3: {  	v51 =	vmin.u32 v41, v40;
	v6 =	vadd.s32 $0x1, v6;
	v3 =	vmin.u32 v55, v3  }
0xd4: {  	vm9 =	veq.s32 v47, v16;
	v56 =	vsel vm13, v30, v6;
	v3 =	vadd.s32 $0x1, v3  }
0xd5: {  	v6 =	vmin.u32 v57, v56;
	v58 =	vmin.u32 v56, v53;
	v3 =	vsel vm14, v50, v3  }
0xd6: {  	vm10 =	veq.s32 v13, v14;
	v6 =	vadd.s32 $0x1, v6;
	v3 =	vmin.u32 v58, v3  }
0xd7: {  	v29 =	vmin.u32 v36, v35;
	v6 =	vsel vm12, v31, v6;
	v3 =	vadd.s32 $0x1, v3  }
0xd8: {  	v8 =	vmin.u32 v59, v6;
	v60 =	vmin.u32 v6, v56;
	v3 =	vsel vm4, v53, v3  }
0xd9: {  	v54 =	vadd.s32 $0x1, v24;
	v8 =	vadd.s32 $0x1, v8;
	v3 =	vmin.u32 v60, v3  }
0xda: {  	vm11 =	veq.s32 v13, v15;
	v61 =	vsel vm15, v32, v8;
	v3 =	vadd.s32 $0x1, v3  }
0xdb: {  	v8 =	vmin.u32 v62, v61;
	v63 =	vmin.u32 v61, v6;
	v3 =	vsel vm5, v56, v3  }
0xdc: {  	vm13 =	veq.s32 v47, v17;
	v8 =	vadd.s32 $0x1, v8;
	v3 =	vmin.u32 v63, v3  }
0xdd: {  	vm12 =	veq.s32 v47, v18;
	v22 =	vsel vm7, v33, v8;
	v3 =	vadd.s32 $0x1, v3  }
0xde: {  	v8 =	vmin.u32 v25, v22;
	v26 =	vmin.u32 v22, v61;
	v3 =	vsel vm8, v6, v3  }
0xdf: {  	vm14 =	veq.s32 v13, v16;
	v8 =	vadd.s32 $0x1, v8;
	v3 =	vmin.u32 v26, v3  }
0xe0: {  	v32 =	vmin.u32 v37, v36;
	v28 =	vsel vm6, v34, v8;
	v3 =	vadd.s32 $0x1, v3  }
0xe1: {  	v8 =	vmin.u32 v29, v28;
	v30 =	vmin.u32 v28, v22;
	v3 =	vsel vm10, v61, v3  }
0xe2: {  	vm15 =	veq.s32 v47, v19;
	v8 =	vadd.s32 $0x1, v8;
	v3 =	vmin.u32 v30, v3  }
0xe3: {  	vm4 =	veq.s32 v13, v17;
	v31 =	vsel vm9, v35, v8;
	v3 =	vadd.s32 $0x1, v3  }
0xe4: {  	v8 =	vmin.u32 v32, v31;
	v33 =	vmin.u32 v31, v28;
	v3 =	vsel vm11, v22, v3  }
0xe5: {  	v53 =	vmin.u32 v7, v41;
	v8 =	vadd.s32 $0x1, v8;
	v3 =	vmin.u32 v33, v3  }
0xe6: {  	v35 =	vmin.u32 v38, v37;
	v34 =	vsel vm13, v36, v8;
	v3 =	vadd.s32 $0x1, v3  }
0xe7: {  	v8 =	vmin.u32 v35, v34;
	v36 =	vmin.u32 v34, v31;
	v3 =	vsel vm14, v28, v3  }
0xe8: {  	vm5 =	veq.s32 v13, v18;
	v8 =	vadd.s32 $0x1, v8;
	v3 =	vmin.u32 v36, v3  }
0xe9: {  	vm7 =	veq.s32 v47, v20;
	v42 =	vsel vm12, v37, v8;
	v3 =	vadd.s32 $0x1, v3  }
0xea: {  	v8 =	vmin.u32 v43, v42;
	v44 =	vmin.u32 v42, v34;
	v3 =	vsel vm4, v31, v3  }
0xeb: {  	vm6 =	veq.s32 v47, v21;
	v8 =	vadd.s32 $0x1, v8;
	v3 =	vmin.u32 v44, v3  }
0xec: {  	vm8 =	veq.s32 v13, v19;
	v45 =	vsel vm15, v38, v8;
	v3 =	vadd.s32 $0x1, v3  }
0xed: {  	v8 =	vmin.u32 v48, v45;
	v49 =	vmin.u32 v45, v42;
	v3 =	vsel vm5, v34, v3  }
0xee: {  	vm9 =	veq.s32 v2, v27;
	v8 =	vadd.s32 $0x1, v8;
	v3 =	vmin.u32 v49, v3  }
0xef: {  	vm10 =	veq.s32 v13, v20;
	v50 =	vsel vm7, v39, v8;
	v3 =	vadd.s32 $0x1, v3  }
0xf0: {  	v8 =	vmin.u32 v51, v50;
	v52 =	vmin.u32 v50, v45;
	v3 =	vsel vm8, v42, v3  }
0xf1: {  	vm11 =	veq.s32 v47, v23;
	v8 =	vadd.s32 $0x1, v8;
	v2 =	vmin.u32 v52, v3  }
0xf2: {  	vm12 =	veq.s32 v13, v21;
	v3 =	vsel vm6, v40, v8;
	v2 =	vadd.s32 $0x1, v2  }
0xf3: {  	v6 =	vmin.u32 v53, v3;
	v55 =	vmin.u32 v3, v50;
	v2 =	vsel vm10, v45, v2  }
0xf4: {  	v8 =	vsel vm9, v46, v54;
	v6 =	vadd.s32 $0x1, v6;
	v2 =	vmin.u32 v55, v2  }
0xf5: {  	v57 =	vmin.u32 v8, v7;
	v56 =	vsel vm11, v41, v6;
	v2 =	vadd.s32 $0x1, v2  }
0xf6: {  	v6 =	vmin.u32 v57, v56;
	v58 =	vmin.u32 v56, v3;
	v2 =	vsel vm12, v50, v2  }
0xf7: {  	vm13 =	veq.s32 v47, v27;
	v6 =	vadd.s32 $0x1, v6;
	v2 =	vmin.u32 v58, v2  }
0xf8: {  	vm14 =	veq.s32 v13, v23;
	v59 =	vsel vm13, v7, v6;
	v2 =	vadd.s32 $0x1, v2  }
0xf9: {  	v2 =	vsel vm14, v3, v2;
	v3 =	vmin.u32 v59, v56  }
0xfa: {  	v2 =	vmin.u32 v3, v2  }
0xfb: {  	vm15 =	veq.s32 v13, v27;
	v2 =	vadd.s32 $0x1, v2  }
0xfc: {  	v2 =	vsel vm15, v56, v2  }
0xfd: {  	v2 =	vmin.u32 v2, $0x17  }
0xfe: {  	v2 =	vshll.u32 v2, $0x2;
	_ =	sdelay $0x4  }
0xff: {  	v1 =	vshll.u32 v1, $0x2;
	v3 =	vld.idx.msk [tilespmem:v2+s9+$0x0], $0xffff  }
0x100: {  	v60 =	vor.u32 $0x1, v2;
	_ =	sdelay $0x3  }
0x101: {  	[tilespmem:v1+s13+$0x0] =	vst.idx.msk $0xffff, v3  }
0x102: {  	v61 =	vor.u32 $0x1, v1;
	v3 =	vld.idx.msk [tilespmem:v60+s9+$0x0], $0xffff  }
0x103: {  	v62 =	vor.u32 $0x2, v2;
	_ =	sdelay $0x3  }
0x104: {  	[tilespmem:v61+s13+$0x0] =	vst.idx.msk $0xffff, v3  }
0x105: {  	v63 =	vor.u32 $0x2, v1;
	v3 =	vld.idx.msk [tilespmem:v62+s9+$0x0], $0xffff  }
0x106: {  	v2 =	vor.u32 $0x3, v2;
	_ =	sdelay $0x3  }
0x107: {  	s16 =	sadd.s32 $0x1, s16;
	[tilespmem:v63+s13+$0x0] =	vst.idx.msk $0xffff, v3  }
0x108: {  	p0 =	sne.s32 s16, $0x8;
	v1 =	vor.u32 $0x3, v1;
	v2 =	vld.idx.msk [tilespmem:v2+s9+$0x0], $0xffff  }
.Ltmp1:
0x109: {  	_ = 	snop;
	(pc) =	sbr.rel @p0 .LBB2_2-.Ltmp1, $2  }
0x10a: {  	_ =	sdelay $0x2  }
0x10b: {  	[tilespmem:v1+s13+$0x0] =	vst.idx.msk $0xffff, v2  }
0x10c: {  	s15 =	sadd.s32 $0x1, s15  }
0x10d: {  	p0 =	sne.s32 s15, s7  }
.Ltmp2:
0x10e: {  	_ = 	snop;
	(pc) =	sbr.rel @p0 .LBB2_1-.Ltmp2, $4  }
0x10f: {  	[hbm4b:s6+s2] =	stream.linear.scatter [tilespmem:s13], [sflag:$0x4], $0x200, $0x38;
	[tilespmem:$0x1680] =	vst v63  }
0x110: {  	_ =	swait.ge [sflag:s14], $0x200  }
0x111: {  	[sflag:s14] =	ssyncset.done $0x0  }
0x112: {  	[sflag:s14] =	ssyncadd.s32 $0xFFFFFE00  }
0x113: {  	_ =	sfence.sel $0x180000  }
0x114: {  	[bflag:$0x0] =	sbarrier.arrive $0xFFFF  }
0x115: {  	p0 =	sne.s32 s0, $0x0;
	_ =	strace $0x90000047  }
0x116: {  	s0 =	sadd.s32 @!p0 $0x100000, s1;
	[bflag:$0x2] =	sbarrier.arrive $0xFFFF  }
0x117: {  	[sflag:s0] =	ssyncadd.tile.s32 @!p0 $0x1;
	_ =	shalt  }
.Lfunc_end2:
_tile_overlayer_lowered:
.L_overlay_start_2:
0x118: {  	(tag) =	ssettag $0x2  }
0x119: {  	s0 =	rddreg [dreg:$0x0];
	s2 =	stileid.u32  }
0x11a: {  	s1 =	rddreg [dreg:$0x1];
	p0 =	sne.s32 s2, $0x0  }
0x11b: {  	s3 =	rddreg [dreg:$0x2];
	[bflag:$0x3] =	sbarrier.arrive $0xFFFF;
	s2 =	simm.s32 @!p0 $0x1C04  }
0x11c: {  	[timem:s3], [sflag:s2] =	dma.local @!p0 [hbm:s0], s1  }
0x11d: {  	s0 =	simm.s32 @!p0 $0x4  }
0x11e: {  	_ =	swait.ge @!p0 [sflag:s0], s1  }
0x11f: {  	s1 =	ssub.s32 @!p0 $0x0, s1;
	[sflag:s0] =	ssyncset.done @!p0 $0x0  }
0x120: {  	[sflag:s0] =	ssyncadd.s32 @!p0 s1  }
0x121: {  	[bflag:$0x3] =	sbarrier.arrive $0xFFFF  }
0x122: {  	_ =	shalt  }

</sc_bundles>
